<compile_context>
chip_gen: v7x
topology: tpu7x:2x2x1
jax: 0.10.2.dev20260603
libtpu: 0.0.44.dev20260713+nightly
codegen_flags: <defaults>
</compile_context>

<pallas_src>
import functools

import jax
import jax.numpy as jnp
from jax import lax
from jax.experimental import pallas as pl
from jax.experimental.pallas import tpu as pltpu
from jax.experimental.pallas import tpu_sc as plsc

MODEL_DIM = 64
SCALE = 8.0

NUM_CORES = 2
NUM_SUBCORES = 16
NUM_WORKERS = NUM_CORES * NUM_SUBCORES

BATCH = 4096
SEQ = 200
LANES = 16
UNIT = 128
N_UNITS = BATCH * SEQ // UNIT
UNITS_PER_WORKER = N_UNITS // NUM_WORKERS
IDX_PER_WORKER = UNITS_PER_WORKER * UNIT
TSTRIDE = 137


@functools.partial(
    pl.kernel,
    out_type=jax.ShapeDtypeStruct((SEQ, MODEL_DIM, BATCH), jnp.float32),
    mesh=plsc.VectorSubcoreMesh(core_axis_name="c", subcore_axis_name="s"),
    compiler_params=pltpu.CompilerParams(needs_layout_passes=False),
    scratch_types=[
        pltpu.VMEM((IDX_PER_WORKER,), jnp.int32),
        pltpu.VMEM((UNIT, 128), jnp.float32),
        pltpu.VMEM((UNIT, 128), jnp.float32),
        pltpu.VMEM((MODEL_DIM * TSTRIDE,), jnp.float32),
        pltpu.VMEM((MODEL_DIM, 128), jnp.float32),
        pltpu.VMEM((MODEL_DIM, 128), jnp.float32),
        pltpu.SemaphoreType.DMA,
        pltpu.SemaphoreType.DMA,
        pltpu.SemaphoreType.DMA,
        pltpu.SemaphoreType.DMA,
    ],
)
def _emb_lookup(table_hbm, idx_hbm, out_hbm, idx_v, buf0, buf1, tmp, tb0, tb1,
                gsem0, gsem1, wsem0, wsem1):
    wid = lax.axis_index("s") * NUM_CORES + lax.axis_index("c")
    ubase = wid * UNITS_PER_WORKER
    pltpu.sync_copy(idx_hbm.at[pl.ds(ubase * UNIT, IDX_PER_WORKER)], idx_v)

    scat = [(lax.iota(jnp.int32, LANES) + c * LANES) * TSTRIDE
            for c in range(MODEL_DIM // LANES)]

    def gather(i, buf, sem):
        pltpu.async_copy(table_hbm.at[idx_v.at[pl.ds(i * UNIT, UNIT)]],
                         buf, sem)

    def wait_gather(buf, sem):
        pltpu.make_async_copy(table_hbm.at[idx_v.at[pl.ds(0, UNIT)]],
                              buf, sem).wait()

    def transpose_scale(buf, tb):
        @plsc.parallel_loop(0, UNIT, unroll=8)
        def _(b):
            off = jnp.full((LANES,), b, dtype=jnp.int32)
            for c in range(MODEL_DIM // LANES):
                v = buf[b, pl.ds(c * LANES, LANES)]
                plsc.store_scatter(tmp, [scat[c] + off], v * SCALE)

        @plsc.parallel_loop(0, MODEL_DIM, unroll=4)
        def _(d):
            base = d * TSTRIDE
            for c in range(128 // LANES):
                tb[d, pl.ds(c * LANES, LANES)] = (
                    tmp[pl.ds(base + c * LANES, LANES)])

    def writeback(i, tb, sem):
        u = ubase + i
        t = u // (BATCH // UNIT)
        bg = lax.rem(u, BATCH // UNIT)
        pltpu.async_copy(tb, out_hbm.at[t, :, pl.ds(bg * UNIT, UNIT)], sem)

    def wait_writeback(tb, sem):
        pltpu.make_async_copy(tb, out_hbm.at[0, :, pl.ds(0, UNIT)], sem).wait()

    gather(0, buf0, gsem0)
    gather(1, buf1, gsem1)

    def half(i, u, buf, gsem, tb, wsem):
        wait_gather(buf, gsem)

        @pl.when(i > 0)
        def _():
            wait_writeback(tb, wsem)
        transpose_scale(buf, tb)

        @pl.when(u + 2 < UNITS_PER_WORKER)
        def _():
            gather(u + 2, buf, gsem)
        writeback(u, tb, wsem)

    def body(i, _):
        i0 = 2 * i
        half(i, i0, buf0, gsem0, tb0, wsem0)
        half(i, i0 + 1, buf1, gsem1, tb1, wsem1)
        return 0

    lax.fori_loop(0, UNITS_PER_WORKER // 2, body, 0)
    wait_writeback(tb0, wsem0)
    wait_writeback(tb1, wsem1)


def kernel(inputs, embeddings):
    table128 = jnp.concatenate(
        [embeddings,
         jnp.zeros((embeddings.shape[0], 128 - MODEL_DIM), jnp.float32)],
        axis=1)
    idx = inputs.T.reshape(-1)
    out3 = _emb_lookup(table128, idx)
    return out3.transpose(2, 0, 1)

# --- scband reference (transcript-rebuilt; emitter-appended) ---
"""Pipeline reference for scband-embedding-25151328485503 (READ-ONLY COPY).

The authoritative reference and input builder live on the scoring server;
editing this copy changes nothing except your own understanding.
"""

import jax, jax.numpy as jnp
import numpy as np

MODEL_DIM = 64
VOCAB_SIZE = 1000000
BATCH = 4096
SEQ_LEN = 200

def setup_inputs(seed: int = 0) -> dict:
    key = jax.random.key(seed)
    k_idx, k_emb = jax.random.split(key)
    inputs = jax.random.randint(k_idx, (BATCH, SEQ_LEN), 0, VOCAB_SIZE, dtype=jnp.int32)
    # glorot_uniform init for the embedding table
    limit = np.sqrt(6.0 / (VOCAB_SIZE + MODEL_DIM))
    embeddings = jax.random.uniform(k_emb, (VOCAB_SIZE, MODEL_DIM), dtype=jnp.float32, minval=-limit, maxval=limit)
    return {"inputs": inputs, "embeddings": embeddings}

def reference(inputs, embeddings):
    idx = inputs.astype(jnp.int32)
    emb = jnp.take(embeddings, idx, axis=0)
    return emb * jnp.sqrt(jnp.asarray(MODEL_DIM, dtype=jnp.float32))

if __name__ == "__main__":
    import jax
    _d = setup_inputs()
    print(jax.jit(kernel)(*tuple(_d.values())))

</pallas_src>

<mosaic_0001>
#map = affine_map<(d0, d1) -> (0, 0)>
#map1 = affine_map<(d0, d1) -> (0)>
#map2 = affine_map<(d0, d1) -> (0, 0, 0)>
module attributes {stable_mosaic.version = 14 : i64} {
  func.func @_emb_lookup(%arg0: i32, %arg1: i32, %arg2: memref<1000000x128xf32, #tpu.memory_space<hbm>>, %arg3: memref<819200xi32, #tpu.memory_space<hbm>>, %arg4: memref<200x64x4096xf32, #tpu.memory_space<hbm>>, %arg5: memref<25600xi32, #tpu.memory_space<vmem>>, %arg6: memref<128x128xf32, #tpu.memory_space<vmem>>, %arg7: memref<128x128xf32, #tpu.memory_space<vmem>>, %arg8: memref<8768xf32, #tpu.memory_space<vmem>>, %arg9: memref<64x128xf32, #tpu.memory_space<vmem>>, %arg10: memref<64x128xf32, #tpu.memory_space<vmem>>, %arg11: memref<!tpu.dma_semaphore, #tpu.memory_space<semaphore_mem>>, %arg12: memref<!tpu.dma_semaphore, #tpu.memory_space<semaphore_mem>>, %arg13: memref<!tpu.dma_semaphore, #tpu.memory_space<semaphore_mem>>, %arg14: memref<!tpu.dma_semaphore, #tpu.memory_space<semaphore_mem>>) attributes {dimension_semantics = [#tpu.dimension_semantics<core_parallel>, #tpu.dimension_semantics<subcore_parallel>], iteration_bounds = array<i64: 2, 16>, scalar_prefetch = 0 : i64, scratch_operands = 10 : i64, tpu.core_type = #tpu.core_type<sc_vector_subcore>, window_params = [{transform_indices = #map}, {transform_indices = #map1}, {transform_indices = #map2}]} {
    %mul3A = arith.constant 2 : i32
    %mul3A_0 = arith.muli %arg1, %mul3A : i32
    %add3A = arith.addi %mul3A_0, %arg0 : i32
    %mul3A_1 = arith.constant 200 : i32
    %mul3A_2 = arith.muli %add3A, %mul3A_1 : i32
    %mul3A_3 = arith.constant 128 : i32
    %mul3A_4 = arith.muli %mul3A_2, %mul3A_3 : i32
    "tpu.region"() ({
      %run_scoped3A = tpu.sem_alloc : memref<!tpu.dma_semaphore, #tpu.memory_space<semaphore_mem>>
      %dma_start3A_64 = tpu.memref_slice %arg3[%mul3A_4] : memref<819200xi32, #tpu.memory_space<hbm>> -> memref<25600xi32, #tpu.memory_space<hbm>>
      %dma_start3A_65 = tpu.memref_slice %arg3[%mul3A_4] : memref<819200xi32, #tpu.memory_space<hbm>> -> memref<25600xi32, #tpu.memory_space<hbm>>
      tpu.enqueue_dma source(%dma_start3A_65 : memref<25600xi32, #tpu.memory_space<hbm>>) target(%arg5 : memref<25600xi32, #tpu.memory_space<vmem>>) target_semaphore(%run_scoped3A : memref<!tpu.dma_semaphore, #tpu.memory_space<semaphore_mem>>)
      %dma_wait3A_66 = tpu.memref_slice %arg3[%mul3A_4] : memref<819200xi32, #tpu.memory_space<hbm>> -> memref<25600xi32, #tpu.memory_space<hbm>>
      %dma_wait3A_67 = tpu.memref_slice %arg3[%mul3A_4] : memref<819200xi32, #tpu.memory_space<hbm>> -> memref<25600xi32, #tpu.memory_space<hbm>>
      tpu.wait_dma2 semaphore(%run_scoped3A : memref<!tpu.dma_semaphore, #tpu.memory_space<semaphore_mem>>) src(%dma_wait3A_67 : memref<25600xi32, #tpu.memory_space<hbm>>) dst(%arg5 : memref<25600xi32, #tpu.memory_space<vmem>>)
      tpu.yield
    }) : () -> ()
    %iota3A = tpu.iota {dimensions = array<i32: 0>} : vector<16xi32>
    %add3A_5 = arith.constant 0 : i32
    %add3A_6 = vector.broadcast %add3A_5 : i32 to vector<16xi32>
    %add3A_7 = arith.addi %iota3A, %add3A_6 : vector<16xi32>
    %mul3A_8 = arith.constant 137 : i32
    %mul3A_9 = vector.broadcast %mul3A_8 : i32 to vector<16xi32>
    %mul3A_10 = arith.muli %add3A_7, %mul3A_9 : vector<16xi32>
    %iota3A_11 = tpu.iota {dimensions = array<i32: 0>} : vector<16xi32>
    %add3A_12 = arith.constant 16 : i32
    %add3A_13 = vector.broadcast %add3A_12 : i32 to vector<16xi32>
    %add3A_14 = arith.addi %iota3A_11, %add3A_13 : vector<16xi32>
    %mul3A_15 = arith.constant 137 : i32
    %mul3A_16 = vector.broadcast %mul3A_15 : i32 to vector<16xi32>
    %mul3A_17 = arith.muli %add3A_14, %mul3A_16 : vector<16xi32>
    %iota3A_18 = tpu.iota {dimensions = array<i32: 0>} : vector<16xi32>
    %add3A_19 = arith.constant 32 : i32
    %add3A_20 = vector.broadcast %add3A_19 : i32 to vector<16xi32>
    %add3A_21 = arith.addi %iota3A_18, %add3A_20 : vector<16xi32>
    %mul3A_22 = arith.constant 137 : i32
    %mul3A_23 = vector.broadcast %mul3A_22 : i32 to vector<16xi32>
    %mul3A_24 = arith.muli %add3A_21, %mul3A_23 : vector<16xi32>
    %iota3A_25 = tpu.iota {dimensions = array<i32: 0>} : vector<16xi32>
    %add3A_26 = arith.constant 48 : i32
    %add3A_27 = vector.broadcast %add3A_26 : i32 to vector<16xi32>
    %add3A_28 = arith.addi %iota3A_25, %add3A_27 : vector<16xi32>
    %mul3A_29 = arith.constant 137 : i32
    %mul3A_30 = vector.broadcast %mul3A_29 : i32 to vector<16xi32>
    %mul3A_31 = arith.muli %add3A_28, %mul3A_30 : vector<16xi32>
    %dma_start3A = arith.constant 0 : i32
    %dma_start3A_32 = tpu.memref_slice %arg5[%dma_start3A] : memref<25600xi32, #tpu.memory_space<vmem>> -> memref<128xi32, #tpu.memory_space<vmem>>
    %dma_start3A_33 = arith.constant 0 : i32
    %dma_start3A_34 = arith.constant 0 : i32
    %dma_start3A_35 = tpu.memref_slice %arg2[%dma_start3A_33, %dma_start3A_34] : memref<1000000x128xf32, #tpu.memory_space<hbm>> -> memref<1000000x128xf32, #tpu.memory_space<hbm>>
    tpu.enqueue_indirect_dma source(%dma_start3A_35 : memref<1000000x128xf32, #tpu.memory_space<hbm>>) target(%arg6 : memref<128x128xf32, #tpu.memory_space<vmem>>) offsets(%dma_start3A_32 : memref<128xi32, #tpu.memory_space<vmem>>) semaphore(%arg11 : memref<!tpu.dma_semaphore, #tpu.memory_space<semaphore_mem>>)
    %dma_start3A_36 = arith.constant 128 : i32
    %dma_start3A_37 = tpu.memref_slice %arg5[%dma_start3A_36] : memref<25600xi32, #tpu.memory_space<vmem>> -> memref<128xi32, #tpu.memory_space<vmem>>
    %dma_start3A_38 = arith.constant 0 : i32
    %dma_start3A_39 = arith.constant 0 : i32
    %dma_start3A_40 = tpu.memref_slice %arg2[%dma_start3A_38, %dma_start3A_39] : memref<1000000x128xf32, #tpu.memory_space<hbm>> -> memref<1000000x128xf32, #tpu.memory_space<hbm>>
    tpu.enqueue_indirect_dma source(%dma_start3A_40 : memref<1000000x128xf32, #tpu.memory_space<hbm>>) target(%arg7 : memref<128x128xf32, #tpu.memory_space<vmem>>) offsets(%dma_start3A_37 : memref<128xi32, #tpu.memory_space<vmem>>) semaphore(%arg12 : memref<!tpu.dma_semaphore, #tpu.memory_space<semaphore_mem>>)
    %scan3A = arith.constant 0 : i32
    %scan3A_41 = arith.constant 0 : i32
    %scan3A_42 = arith.constant 100 : i32
    %scan3A_43 = arith.addi %scan3A_41, %scan3A_42 : i32
    %scan3A_44 = arith.constant 1 : i32
    %scan3A_45 = scf.for %scan3A_64 = %scan3A_41 to %scan3A_43 step %scan3A_44 iter_args(%scan3A_65 = %scan3A) -> (i32)  : i32 {
      %mul3A_66 = arith.constant 2 : i32
      %mul3A_67 = arith.muli %mul3A_66, %scan3A_64 : i32
      %dma_wait3A_68 = arith.constant 0 : i32
      %dma_wait3A_69 = tpu.memref_slice %arg5[%dma_wait3A_68] : memref<25600xi32, #tpu.memory_space<vmem>> -> memref<128xi32, #tpu.memory_space<vmem>>
      %dma_wait3A_70 = arith.constant 0 : i32
      %dma_wait3A_71 = arith.constant 0 : i32
      %dma_wait3A_72 = tpu.memref_slice %arg2[%dma_wait3A_70, %dma_wait3A_71] : memref<1000000x128xf32, #tpu.memory_space<hbm>> -> memref<1000000x128xf32, #tpu.memory_space<hbm>>
      tpu.wait_indirect_dma semaphore(%arg11 : memref<!tpu.dma_semaphore, #tpu.memory_space<semaphore_mem>>) src(%dma_wait3A_72 : memref<1000000x128xf32, #tpu.memory_space<hbm>>) dst(%arg6 : memref<128x128xf32, #tpu.memory_space<vmem>>)
      %gt3A = arith.constant 0 : i32
      %gt3A_73 = arith.cmpi sgt, %scan3A_64, %gt3A : i32
      %convert_element_type3A = arith.extui %gt3A_73 : i1 to i32
      %cond3A = arith.constant 0 : i32
      %cond3A_74 = arith.cmpi ne, %convert_element_type3A, %cond3A : i32
      scf.if %cond3A_74 {
        %dma_wait3A_174 = arith.constant 0 : i32
        %dma_wait3A_175 = arith.constant 0 : i32
        %dma_wait3A_176 = arith.constant 0 : i32
        %dma_wait3A_177 = tpu.memref_slice %arg4[%dma_wait3A_174, %dma_wait3A_175, %dma_wait3A_176] : memref<200x64x4096xf32, #tpu.memory_space<hbm>> -> memref<1x64x128xf32, #tpu.memory_space<hbm>>
        %dma_wait3A_178 = tpu.memref_squeeze %dma_wait3A_177 : memref<1x64x128xf32, #tpu.memory_space<hbm>> -> memref<64x128xf32, #tpu.memory_space<hbm>>
        %dma_wait3A_179 = arith.constant 0 : i32
        %dma_wait3A_180 = arith.constant 0 : i32
        %dma_wait3A_181 = tpu.memref_slice %arg4[%dma_wait3A_174, %dma_wait3A_179, %dma_wait3A_180] : memref<200x64x4096xf32, #tpu.memory_space<hbm>> -> memref<1x64x128xf32, #tpu.memory_space<hbm>>
        %dma_wait3A_182 = tpu.memref_squeeze %dma_wait3A_181 : memref<1x64x128xf32, #tpu.memory_space<hbm>> -> memref<64x128xf32, #tpu.memory_space<hbm>>
        tpu.wait_dma2 semaphore(%arg13 : memref<!tpu.dma_semaphore, #tpu.memory_space<semaphore_mem>>) src(%arg9 : memref<64x128xf32, #tpu.memory_space<vmem>>) dst(%dma_wait3A_182 : memref<64x128xf32, #tpu.memory_space<hbm>>)
      } else {
      }
      %parallel_loop3A = arith.constant 0 : i32
      %parallel_loop3A_75 = arith.constant 128 : i32
      %parallel_loop3A_76 = arith.constant 1 : i32
      scf.for %parallel_loop3A_174 = %parallel_loop3A to %parallel_loop3A_75 step %parallel_loop3A_76  : i32 {
        %parallel_loop3A_175 = vector.broadcast %parallel_loop3A_174 : i32 to vector<16xi32>
        %parallel_loop3A_176 = arith.index_cast %parallel_loop3A_174 : i32 to index
        %parallel_loop3A_177 = arith.constant 0 : index
        %parallel_loop3A_178 = tpu.vector_load %arg6[%parallel_loop3A_176, %parallel_loop3A_177] {strides = array<i32>} : memref<128x128xf32, #tpu.memory_space<vmem>>, vector<16xf32>,
        %parallel_loop3A_179 = arith.addi %mul3A_10, %parallel_loop3A_175 : vector<16xi32>
        %parallel_loop3A_180 = arith.constant 8.000000e+00 : f32
        %parallel_loop3A_181 = vector.broadcast %parallel_loop3A_180 : f32 to vector<16xf32>
        %parallel_loop3A_182 = arith.mulf %parallel_loop3A_178, %parallel_loop3A_181 : vector<16xf32>
        tpu.vector_store_idx %arg8[%parallel_loop3A_179], %parallel_loop3A_182 : memref<8768xf32, #tpu.memory_space<vmem>>[vector<16xi32>], vector<16xf32>,
        %parallel_loop3A_183 = arith.index_cast %parallel_loop3A_174 : i32 to index
        %parallel_loop3A_184 = arith.constant 16 : index
        %parallel_loop3A_185 = tpu.vector_load %arg6[%parallel_loop3A_183, %parallel_loop3A_184] {strides = array<i32>} : memref<128x128xf32, #tpu.memory_space<vmem>>, vector<16xf32>,
        %parallel_loop3A_186 = arith.addi %mul3A_17, %parallel_loop3A_175 : vector<16xi32>
        %parallel_loop3A_187 = arith.constant 8.000000e+00 : f32
        %parallel_loop3A_188 = vector.broadcast %parallel_loop3A_187 : f32 to vector<16xf32>
        %parallel_loop3A_189 = arith.mulf %parallel_loop3A_185, %parallel_loop3A_188 : vector<16xf32>
        tpu.vector_store_idx %arg8[%parallel_loop3A_186], %parallel_loop3A_189 : memref<8768xf32, #tpu.memory_space<vmem>>[vector<16xi32>], vector<16xf32>,
        %parallel_loop3A_190 = arith.index_cast %parallel_loop3A_174 : i32 to index
        %parallel_loop3A_191 = arith.constant 32 : index
        %parallel_loop3A_192 = tpu.vector_load %arg6[%parallel_loop3A_190, %parallel_loop3A_191] {strides = array<i32>} : memref<128x128xf32, #tpu.memory_space<vmem>>, vector<16xf32>,
        %parallel_loop3A_193 = arith.addi %mul3A_24, %parallel_loop3A_175 : vector<16xi32>
        %parallel_loop3A_194 = arith.constant 8.000000e+00 : f32
        %parallel_loop3A_195 = vector.broadcast %parallel_loop3A_194 : f32 to vector<16xf32>
        %parallel_loop3A_196 = arith.mulf %parallel_loop3A_192, %parallel_loop3A_195 : vector<16xf32>
        tpu.vector_store_idx %arg8[%parallel_loop3A_193], %parallel_loop3A_196 : memref<8768xf32, #tpu.memory_space<vmem>>[vector<16xi32>], vector<16xf32>,
        %parallel_loop3A_197 = arith.index_cast %parallel_loop3A_174 : i32 to index
        %parallel_loop3A_198 = arith.constant 48 : index
        %parallel_loop3A_199 = tpu.vector_load %arg6[%parallel_loop3A_197, %parallel_loop3A_198] {strides = array<i32>} : memref<128x128xf32, #tpu.memory_space<vmem>>, vector<16xf32>,
        %parallel_loop3A_200 = arith.addi %mul3A_31, %parallel_loop3A_175 : vector<16xi32>
        %parallel_loop3A_201 = arith.constant 8.000000e+00 : f32
        %parallel_loop3A_202 = vector.broadcast %parallel_loop3A_201 : f32 to vector<16xf32>
        %parallel_loop3A_203 = arith.mulf %parallel_loop3A_199, %parallel_loop3A_202 : vector<16xf32>
        tpu.vector_store_idx %arg8[%parallel_loop3A_200], %parallel_loop3A_203 : memref<8768xf32, #tpu.memory_space<vmem>>[vector<16xi32>], vector<16xf32>,
      } {sc.loop_unroll_factor = 8 : i64, sc.parallel_access}
      %parallel_loop3A_77 = arith.constant 0 : i32
      %parallel_loop3A_78 = arith.constant 64 : i32
      %parallel_loop3A_79 = arith.constant 1 : i32
      scf.for %parallel_loop3A_174 = %parallel_loop3A_77 to %parallel_loop3A_78 step %parallel_loop3A_79  : i32 {
        %parallel_loop3A_175 = arith.constant 137 : i32
        %parallel_loop3A_176 = arith.muli %parallel_loop3A_174, %parallel_loop3A_175 : i32
        %parallel_loop3A_177 = arith.constant 0 : i32
        %parallel_loop3A_178 = arith.addi %parallel_loop3A_176, %parallel_loop3A_177 : i32
        %parallel_loop3A_179 = arith.index_cast %parallel_loop3A_178 : i32 to index
        %parallel_loop3A_180 = tpu.vector_load %arg8[%parallel_loop3A_179] {strides = array<i32>} : memref<8768xf32, #tpu.memory_space<vmem>>, vector<16xf32>,
        %parallel_loop3A_181 = arith.index_cast %parallel_loop3A_174 : i32 to index
        %parallel_loop3A_182 = arith.constant 0 : index
        %parallel_loop3A_183 = tpu.vector_load %arg9[%parallel_loop3A_181, %parallel_loop3A_182] {strides = array<i32>} : memref<64x128xf32, #tpu.memory_space<vmem>>, vector<16xf32>,
        tpu.vector_store %arg9[%parallel_loop3A_181, %parallel_loop3A_182], %parallel_loop3A_180 {strides = array<i32>} : memref<64x128xf32, #tpu.memory_space<vmem>>, vector<16xf32>,
        %parallel_loop3A_184 = arith.constant 16 : i32
        %parallel_loop3A_185 = arith.addi %parallel_loop3A_176, %parallel_loop3A_184 : i32
        %parallel_loop3A_186 = arith.index_cast %parallel_loop3A_185 : i32 to index
        %parallel_loop3A_187 = tpu.vector_load %arg8[%parallel_loop3A_186] {strides = array<i32>} : memref<8768xf32, #tpu.memory_space<vmem>>, vector<16xf32>,
        %parallel_loop3A_188 = arith.index_cast %parallel_loop3A_174 : i32 to index
        %parallel_loop3A_189 = arith.constant 16 : index
        %parallel_loop3A_190 = tpu.vector_load %arg9[%parallel_loop3A_188, %parallel_loop3A_189] {strides = array<i32>} : memref<64x128xf32, #tpu.memory_space<vmem>>, vector<16xf32>,
        tpu.vector_store %arg9[%parallel_loop3A_188, %parallel_loop3A_189], %parallel_loop3A_187 {strides = array<i32>} : memref<64x128xf32, #tpu.memory_space<vmem>>, vector<16xf32>,
        %parallel_loop3A_191 = arith.constant 32 : i32
        %parallel_loop3A_192 = arith.addi %parallel_loop3A_176, %parallel_loop3A_191 : i32
        %parallel_loop3A_193 = arith.index_cast %parallel_loop3A_192 : i32 to index
        %parallel_loop3A_194 = tpu.vector_load %arg8[%parallel_loop3A_193] {strides = array<i32>} : memref<8768xf32, #tpu.memory_space<vmem>>, vector<16xf32>,
        %parallel_loop3A_195 = arith.index_cast %parallel_loop3A_174 : i32 to index
        %parallel_loop3A_196 = arith.constant 32 : index
        %parallel_loop3A_197 = tpu.vector_load %arg9[%parallel_loop3A_195, %parallel_loop3A_196] {strides = array<i32>} : memref<64x128xf32, #tpu.memory_space<vmem>>, vector<16xf32>,
        tpu.vector_store %arg9[%parallel_loop3A_195, %parallel_loop3A_196], %parallel_loop3A_194 {strides = array<i32>} : memref<64x128xf32, #tpu.memory_space<vmem>>, vector<16xf32>,
        %parallel_loop3A_198 = arith.constant 48 : i32
        %parallel_loop3A_199 = arith.addi %parallel_loop3A_176, %parallel_loop3A_198 : i32
        %parallel_loop3A_200 = arith.index_cast %parallel_loop3A_199 : i32 to index
        %parallel_loop3A_201 = tpu.vector_load %arg8[%parallel_loop3A_200] {strides = array<i32>} : memref<8768xf32, #tpu.memory_space<vmem>>, vector<16xf32>,
        %parallel_loop3A_202 = arith.index_cast %parallel_loop3A_174 : i32 to index
        %parallel_loop3A_203 = arith.constant 48 : index
        %parallel_loop3A_204 = tpu.vector_load %arg9[%parallel_loop3A_202, %parallel_loop3A_203] {strides = array<i32>} : memref<64x128xf32, #tpu.memory_space<vmem>>, vector<16xf32>,
        tpu.vector_store %arg9[%parallel_loop3A_202, %parallel_loop3A_203], %parallel_loop3A_201 {strides = array<i32>} : memref<64x128xf32, #tpu.memory_space<vmem>>, vector<16xf32>,
        %parallel_loop3A_205 = arith.constant 64 : i32
        %parallel_loop3A_206 = arith.addi %parallel_loop3A_176, %parallel_loop3A_205 : i32
        %parallel_loop3A_207 = arith.index_cast %parallel_loop3A_206 : i32 to index
        %parallel_loop3A_208 = tpu.vector_load %arg8[%parallel_loop3A_207] {strides = array<i32>} : memref<8768xf32, #tpu.memory_space<vmem>>, vector<16xf32>,
        %parallel_loop3A_209 = arith.index_cast %parallel_loop3A_174 : i32 to index
        %parallel_loop3A_210 = arith.constant 64 : index
        %parallel_loop3A_211 = tpu.vector_load %arg9[%parallel_loop3A_209, %parallel_loop3A_210] {strides = array<i32>} : memref<64x128xf32, #tpu.memory_space<vmem>>, vector<16xf32>,
        tpu.vector_store %arg9[%parallel_loop3A_209, %parallel_loop3A_210], %parallel_loop3A_208 {strides = array<i32>} : memref<64x128xf32, #tpu.memory_space<vmem>>, vector<16xf32>,
        %parallel_loop3A_212 = arith.constant 80 : i32
        %parallel_loop3A_213 = arith.addi %parallel_loop3A_176, %parallel_loop3A_212 : i32
        %parallel_loop3A_214 = arith.index_cast %parallel_loop3A_213 : i32 to index
        %parallel_loop3A_215 = tpu.vector_load %arg8[%parallel_loop3A_214] {strides = array<i32>} : memref<8768xf32, #tpu.memory_space<vmem>>, vector<16xf32>,
        %parallel_loop3A_216 = arith.index_cast %parallel_loop3A_174 : i32 to index
        %parallel_loop3A_217 = arith.constant 80 : index
        %parallel_loop3A_218 = tpu.vector_load %arg9[%parallel_loop3A_216, %parallel_loop3A_217] {strides = array<i32>} : memref<64x128xf32, #tpu.memory_space<vmem>>, vector<16xf32>,
        tpu.vector_store %arg9[%parallel_loop3A_216, %parallel_loop3A_217], %parallel_loop3A_215 {strides = array<i32>} : memref<64x128xf32, #tpu.memory_space<vmem>>, vector<16xf32>,
        %parallel_loop3A_219 = arith.constant 96 : i32
        %parallel_loop3A_220 = arith.addi %parallel_loop3A_176, %parallel_loop3A_219 : i32
        %parallel_loop3A_221 = arith.index_cast %parallel_loop3A_220 : i32 to index
        %parallel_loop3A_222 = tpu.vector_load %arg8[%parallel_loop3A_221] {strides = array<i32>} : memref<8768xf32, #tpu.memory_space<vmem>>, vector<16xf32>,
        %parallel_loop3A_223 = arith.index_cast %parallel_loop3A_174 : i32 to index
        %parallel_loop3A_224 = arith.constant 96 : index
        %parallel_loop3A_225 = tpu.vector_load %arg9[%parallel_loop3A_223, %parallel_loop3A_224] {strides = array<i32>} : memref<64x128xf32, #tpu.memory_space<vmem>>, vector<16xf32>,
        tpu.vector_store %arg9[%parallel_loop3A_223, %parallel_loop3A_224], %parallel_loop3A_222 {strides = array<i32>} : memref<64x128xf32, #tpu.memory_space<vmem>>, vector<16xf32>,
        %parallel_loop3A_226 = arith.constant 112 : i32
        %parallel_loop3A_227 = arith.addi %parallel_loop3A_176, %parallel_loop3A_226 : i32
        %parallel_loop3A_228 = arith.index_cast %parallel_loop3A_227 : i32 to index
        %parallel_loop3A_229 = tpu.vector_load %arg8[%parallel_loop3A_228] {strides = array<i32>} : memref<8768xf32, #tpu.memory_space<vmem>>, vector<16xf32>,
        %parallel_loop3A_230 = arith.index_cast %parallel_loop3A_174 : i32 to index
        %parallel_loop3A_231 = arith.constant 112 : index
        %parallel_loop3A_232 = tpu.vector_load %arg9[%parallel_loop3A_230, %parallel_loop3A_231] {strides = array<i32>} : memref<64x128xf32, #tpu.memory_space<vmem>>, vector<16xf32>,
        tpu.vector_store %arg9[%parallel_loop3A_230, %parallel_loop3A_231], %parallel_loop3A_229 {strides = array<i32>} : memref<64x128xf32, #tpu.memory_space<vmem>>, vector<16xf32>,
      } {sc.loop_unroll_factor = 4 : i64, sc.parallel_access}
      %add3A_80 = arith.constant 2 : i32
      %add3A_81 = arith.addi %mul3A_67, %add3A_80 : i32
      %lt3A = arith.constant 200 : i32
      %lt3A_82 = arith.cmpi slt, %add3A_81, %lt3A : i32
      %convert_element_type3A_83 = arith.extui %lt3A_82 : i1 to i32
      %cond3A_84 = arith.constant 0 : i32
      %cond3A_85 = arith.cmpi ne, %convert_element_type3A_83, %cond3A_84 : i32
      scf.if %cond3A_85 {
        %add3A_174 = arith.constant 2 : i32
        %add3A_175 = arith.addi %mul3A_67, %add3A_174 : i32
        %mul3A_176 = arith.constant 128 : i32
        %mul3A_177 = arith.muli %add3A_175, %mul3A_176 : i32
        %dma_start3A_178 = tpu.memref_slice %arg5[%mul3A_177] : memref<25600xi32, #tpu.memory_space<vmem>> -> memref<128xi32, #tpu.memory_space<vmem>>
        %dma_start3A_179 = arith.constant 0 : i32
        %dma_start3A_180 = arith.constant 0 : i32
        %dma_start3A_181 = tpu.memref_slice %arg2[%dma_start3A_179, %dma_start3A_180] : memref<1000000x128xf32, #tpu.memory_space<hbm>> -> memref<1000000x128xf32, #tpu.memory_space<hbm>>
        tpu.enqueue_indirect_dma source(%dma_start3A_181 : memref<1000000x128xf32, #tpu.memory_space<hbm>>) target(%arg6 : memref<128x128xf32, #tpu.memory_space<vmem>>) offsets(%dma_start3A_178 : memref<128xi32, #tpu.memory_space<vmem>>) semaphore(%arg11 : memref<!tpu.dma_semaphore, #tpu.memory_space<semaphore_mem>>)
      } else {
      }
      %add3A_86 = arith.addi %mul3A_2, %mul3A_67 : i32
      %jit3A = arith.constant 32 : i32
      %div3A = arith.divsi %add3A_86, %jit3A : i32
      %sign3A = arith.constant 0 : i32
      %sign3A_87 = arith.cmpi sgt, %add3A_86, %sign3A : i32
      %sign3A_88 = arith.extui %sign3A_87 : i1 to i32
      %sign3A_89 = arith.constant 0 : i32
      %sign3A_90 = arith.cmpi slt, %add3A_86, %sign3A_89 : i32
      %sign3A_91 = arith.extui %sign3A_90 : i1 to i32
      %sign3A_92 = arith.subi %sign3A_88, %sign3A_91 : i32
      %sign3A_93 = arith.constant 0 : i32
      %sign3A_94 = arith.cmpi sgt, %jit3A, %sign3A_93 : i32
      %sign3A_95 = arith.extui %sign3A_94 : i1 to i32
      %sign3A_96 = arith.constant 0 : i32
      %sign3A_97 = arith.cmpi slt, %jit3A, %sign3A_96 : i32
      %sign3A_98 = arith.extui %sign3A_97 : i1 to i32
      %sign3A_99 = arith.subi %sign3A_95, %sign3A_98 : i32
      %ne3A = arith.cmpi ne, %sign3A_92, %sign3A_99 : i32
      %rem3A = arith.remsi %add3A_86, %jit3A : i32
      %ne3A_100 = arith.constant 0 : i32
      %ne3A_101 = arith.cmpi ne, %rem3A, %ne3A_100 : i32
      %and3A = arith.andi %ne3A, %ne3A_101 : i1
      %sub3A = arith.constant 1 : i32
      %sub3A_102 = arith.subi %div3A, %sub3A : i32
      %select_n3A = arith.select %and3A, %sub3A_102, %div3A : i32
      %rem3A_103 = arith.constant 32 : i32
      %rem3A_104 = arith.remsi %add3A_86, %rem3A_103 : i32
      %mul3A_105 = arith.constant 128 : i32
      %mul3A_106 = arith.muli %rem3A_104, %mul3A_105 : i32
      %dma_start3A_107 = arith.constant 0 : i32
      %dma_start3A_108 = tpu.memref_slice %arg4[%select_n3A, %dma_start3A_107, %mul3A_106] : memref<200x64x4096xf32, #tpu.memory_space<hbm>> -> memref<1x64x128xf32, #tpu.memory_space<hbm>>
      %dma_start3A_109 = tpu.memref_squeeze %dma_start3A_108 : memref<1x64x128xf32, #tpu.memory_space<hbm>> -> memref<64x128xf32, #tpu.memory_space<hbm>>
      %dma_start3A_110 = arith.constant 0 : i32
      %dma_start3A_111 = tpu.memref_slice %arg4[%select_n3A, %dma_start3A_110, %mul3A_106] : memref<200x64x4096xf32, #tpu.memory_space<hbm>> -> memref<1x64x128xf32, #tpu.memory_space<hbm>>
      %dma_start3A_112 = tpu.memref_squeeze %dma_start3A_111 : memref<1x64x128xf32, #tpu.memory_space<hbm>> -> memref<64x128xf32, #tpu.memory_space<hbm>>
      tpu.enqueue_dma source(%arg9 : memref<64x128xf32, #tpu.memory_space<vmem>>) target(%dma_start3A_112 : memref<64x128xf32, #tpu.memory_space<hbm>>) target_semaphore(%arg13 : memref<!tpu.dma_semaphore, #tpu.memory_space<semaphore_mem>>)
      %add3A_113 = arith.constant 1 : i32
      %add3A_114 = arith.addi %mul3A_67, %add3A_113 : i32
      %dma_wait3A_115 = arith.constant 0 : i32
      %dma_wait3A_116 = tpu.memref_slice %arg5[%dma_wait3A_115] : memref<25600xi32, #tpu.memory_space<vmem>> -> memref<128xi32, #tpu.memory_space<vmem>>
      %dma_wait3A_117 = arith.constant 0 : i32
      %dma_wait3A_118 = arith.constant 0 : i32
      %dma_wait3A_119 = tpu.memref_slice %arg2[%dma_wait3A_117, %dma_wait3A_118] : memref<1000000x128xf32, #tpu.memory_space<hbm>> -> memref<1000000x128xf32, #tpu.memory_space<hbm>>
      tpu.wait_indirect_dma semaphore(%arg12 : memref<!tpu.dma_semaphore, #tpu.memory_space<semaphore_mem>>) src(%dma_wait3A_119 : memref<1000000x128xf32, #tpu.memory_space<hbm>>) dst(%arg7 : memref<128x128xf32, #tpu.memory_space<vmem>>)
      %gt3A_120 = arith.constant 0 : i32
      %gt3A_121 = arith.cmpi sgt, %scan3A_64, %gt3A_120 : i32
      %convert_element_type3A_122 = arith.extui %gt3A_121 : i1 to i32
      %cond3A_123 = arith.constant 0 : i32
      %cond3A_124 = arith.cmpi ne, %convert_element_type3A_122, %cond3A_123 : i32
      scf.if %cond3A_124 {
        %dma_wait3A_174 = arith.constant 0 : i32
        %dma_wait3A_175 = arith.constant 0 : i32
        %dma_wait3A_176 = arith.constant 0 : i32
        %dma_wait3A_177 = tpu.memref_slice %arg4[%dma_wait3A_174, %dma_wait3A_175, %dma_wait3A_176] : memref<200x64x4096xf32, #tpu.memory_space<hbm>> -> memref<1x64x128xf32, #tpu.memory_space<hbm>>
        %dma_wait3A_178 = tpu.memref_squeeze %dma_wait3A_177 : memref<1x64x128xf32, #tpu.memory_space<hbm>> -> memref<64x128xf32, #tpu.memory_space<hbm>>
        %dma_wait3A_179 = arith.constant 0 : i32
        %dma_wait3A_180 = arith.constant 0 : i32
        %dma_wait3A_181 = tpu.memref_slice %arg4[%dma_wait3A_174, %dma_wait3A_179, %dma_wait3A_180] : memref<200x64x4096xf32, #tpu.memory_space<hbm>> -> memref<1x64x128xf32, #tpu.memory_space<hbm>>
        %dma_wait3A_182 = tpu.memref_squeeze %dma_wait3A_181 : memref<1x64x128xf32, #tpu.memory_space<hbm>> -> memref<64x128xf32, #tpu.memory_space<hbm>>
        tpu.wait_dma2 semaphore(%arg14 : memref<!tpu.dma_semaphore, #tpu.memory_space<semaphore_mem>>) src(%arg10 : memref<64x128xf32, #tpu.memory_space<vmem>>) dst(%dma_wait3A_182 : memref<64x128xf32, #tpu.memory_space<hbm>>)
      } else {
      }
      %parallel_loop3A_125 = arith.constant 0 : i32
      %parallel_loop3A_126 = arith.constant 128 : i32
      %parallel_loop3A_127 = arith.constant 1 : i32
      scf.for %parallel_loop3A_174 = %parallel_loop3A_125 to %parallel_loop3A_126 step %parallel_loop3A_127  : i32 {
        %parallel_loop3A_175 = vector.broadcast %parallel_loop3A_174 : i32 to vector<16xi32>
        %parallel_loop3A_176 = arith.index_cast %parallel_loop3A_174 : i32 to index
        %parallel_loop3A_177 = arith.constant 0 : index
        %parallel_loop3A_178 = tpu.vector_load %arg7[%parallel_loop3A_176, %parallel_loop3A_177] {strides = array<i32>} : memref<128x128xf32, #tpu.memory_space<vmem>>, vector<16xf32>,
        %parallel_loop3A_179 = arith.addi %mul3A_10, %parallel_loop3A_175 : vector<16xi32>
        %parallel_loop3A_180 = arith.constant 8.000000e+00 : f32
        %parallel_loop3A_181 = vector.broadcast %parallel_loop3A_180 : f32 to vector<16xf32>
        %parallel_loop3A_182 = arith.mulf %parallel_loop3A_178, %parallel_loop3A_181 : vector<16xf32>
        tpu.vector_store_idx %arg8[%parallel_loop3A_179], %parallel_loop3A_182 : memref<8768xf32, #tpu.memory_space<vmem>>[vector<16xi32>], vector<16xf32>,
        %parallel_loop3A_183 = arith.index_cast %parallel_loop3A_174 : i32 to index
        %parallel_loop3A_184 = arith.constant 16 : index
        %parallel_loop3A_185 = tpu.vector_load %arg7[%parallel_loop3A_183, %parallel_loop3A_184] {strides = array<i32>} : memref<128x128xf32, #tpu.memory_space<vmem>>, vector<16xf32>,
        %parallel_loop3A_186 = arith.addi %mul3A_17, %parallel_loop3A_175 : vector<16xi32>
        %parallel_loop3A_187 = arith.constant 8.000000e+00 : f32
        %parallel_loop3A_188 = vector.broadcast %parallel_loop3A_187 : f32 to vector<16xf32>
        %parallel_loop3A_189 = arith.mulf %parallel_loop3A_185, %parallel_loop3A_188 : vector<16xf32>
        tpu.vector_store_idx %arg8[%parallel_loop3A_186], %parallel_loop3A_189 : memref<8768xf32, #tpu.memory_space<vmem>>[vector<16xi32>], vector<16xf32>,
        %parallel_loop3A_190 = arith.index_cast %parallel_loop3A_174 : i32 to index
        %parallel_loop3A_191 = arith.constant 32 : index
        %parallel_loop3A_192 = tpu.vector_load %arg7[%parallel_loop3A_190, %parallel_loop3A_191] {strides = array<i32>} : memref<128x128xf32, #tpu.memory_space<vmem>>, vector<16xf32>,
        %parallel_loop3A_193 = arith.addi %mul3A_24, %parallel_loop3A_175 : vector<16xi32>
        %parallel_loop3A_194 = arith.constant 8.000000e+00 : f32
        %parallel_loop3A_195 = vector.broadcast %parallel_loop3A_194 : f32 to vector<16xf32>
        %parallel_loop3A_196 = arith.mulf %parallel_loop3A_192, %parallel_loop3A_195 : vector<16xf32>
        tpu.vector_store_idx %arg8[%parallel_loop3A_193], %parallel_loop3A_196 : memref<8768xf32, #tpu.memory_space<vmem>>[vector<16xi32>], vector<16xf32>,
        %parallel_loop3A_197 = arith.index_cast %parallel_loop3A_174 : i32 to index
        %parallel_loop3A_198 = arith.constant 48 : index
        %parallel_loop3A_199 = tpu.vector_load %arg7[%parallel_loop3A_197, %parallel_loop3A_198] {strides = array<i32>} : memref<128x128xf32, #tpu.memory_space<vmem>>, vector<16xf32>,
        %parallel_loop3A_200 = arith.addi %mul3A_31, %parallel_loop3A_175 : vector<16xi32>
        %parallel_loop3A_201 = arith.constant 8.000000e+00 : f32
        %parallel_loop3A_202 = vector.broadcast %parallel_loop3A_201 : f32 to vector<16xf32>
        %parallel_loop3A_203 = arith.mulf %parallel_loop3A_199, %parallel_loop3A_202 : vector<16xf32>
        tpu.vector_store_idx %arg8[%parallel_loop3A_200], %parallel_loop3A_203 : memref<8768xf32, #tpu.memory_space<vmem>>[vector<16xi32>], vector<16xf32>,
      } {sc.loop_unroll_factor = 8 : i64, sc.parallel_access}
      %parallel_loop3A_128 = arith.constant 0 : i32
      %parallel_loop3A_129 = arith.constant 64 : i32
      %parallel_loop3A_130 = arith.constant 1 : i32
      scf.for %parallel_loop3A_174 = %parallel_loop3A_128 to %parallel_loop3A_129 step %parallel_loop3A_130  : i32 {
        %parallel_loop3A_175 = arith.constant 137 : i32
        %parallel_loop3A_176 = arith.muli %parallel_loop3A_174, %parallel_loop3A_175 : i32
        %parallel_loop3A_177 = arith.constant 0 : i32
        %parallel_loop3A_178 = arith.addi %parallel_loop3A_176, %parallel_loop3A_177 : i32
        %parallel_loop3A_179 = arith.index_cast %parallel_loop3A_178 : i32 to index
        %parallel_loop3A_180 = tpu.vector_load %arg8[%parallel_loop3A_179] {strides = array<i32>} : memref<8768xf32, #tpu.memory_space<vmem>>, vector<16xf32>,
        %parallel_loop3A_181 = arith.index_cast %parallel_loop3A_174 : i32 to index
        %parallel_loop3A_182 = arith.constant 0 : index
        %parallel_loop3A_183 = tpu.vector_load %arg10[%parallel_loop3A_181, %parallel_loop3A_182] {strides = array<i32>} : memref<64x128xf32, #tpu.memory_space<vmem>>, vector<16xf32>,
        tpu.vector_store %arg10[%parallel_loop3A_181, %parallel_loop3A_182], %parallel_loop3A_180 {strides = array<i32>} : memref<64x128xf32, #tpu.memory_space<vmem>>, vector<16xf32>,
        %parallel_loop3A_184 = arith.constant 16 : i32
        %parallel_loop3A_185 = arith.addi %parallel_loop3A_176, %parallel_loop3A_184 : i32
        %parallel_loop3A_186 = arith.index_cast %parallel_loop3A_185 : i32 to index
        %parallel_loop3A_187 = tpu.vector_load %arg8[%parallel_loop3A_186] {strides = array<i32>} : memref<8768xf32, #tpu.memory_space<vmem>>, vector<16xf32>,
        %parallel_loop3A_188 = arith.index_cast %parallel_loop3A_174 : i32 to index
        %parallel_loop3A_189 = arith.constant 16 : index
        %parallel_loop3A_190 = tpu.vector_load %arg10[%parallel_loop3A_188, %parallel_loop3A_189] {strides = array<i32>} : memref<64x128xf32, #tpu.memory_space<vmem>>, vector<16xf32>,
        tpu.vector_store %arg10[%parallel_loop3A_188, %parallel_loop3A_189], %parallel_loop3A_187 {strides = array<i32>} : memref<64x128xf32, #tpu.memory_space<vmem>>, vector<16xf32>,
        %parallel_loop3A_191 = arith.constant 32 : i32
        %parallel_loop3A_192 = arith.addi %parallel_loop3A_176, %parallel_loop3A_191 : i32
        %parallel_loop3A_193 = arith.index_cast %parallel_loop3A_192 : i32 to index
        %parallel_loop3A_194 = tpu.vector_load %arg8[%parallel_loop3A_193] {strides = array<i32>} : memref<8768xf32, #tpu.memory_space<vmem>>, vector<16xf32>,
        %parallel_loop3A_195 = arith.index_cast %parallel_loop3A_174 : i32 to index
        %parallel_loop3A_196 = arith.constant 32 : index
        %parallel_loop3A_197 = tpu.vector_load %arg10[%parallel_loop3A_195, %parallel_loop3A_196] {strides = array<i32>} : memref<64x128xf32, #tpu.memory_space<vmem>>, vector<16xf32>,
        tpu.vector_store %arg10[%parallel_loop3A_195, %parallel_loop3A_196], %parallel_loop3A_194 {strides = array<i32>} : memref<64x128xf32, #tpu.memory_space<vmem>>, vector<16xf32>,
        %parallel_loop3A_198 = arith.constant 48 : i32
        %parallel_loop3A_199 = arith.addi %parallel_loop3A_176, %parallel_loop3A_198 : i32
        %parallel_loop3A_200 = arith.index_cast %parallel_loop3A_199 : i32 to index
        %parallel_loop3A_201 = tpu.vector_load %arg8[%parallel_loop3A_200] {strides = array<i32>} : memref<8768xf32, #tpu.memory_space<vmem>>, vector<16xf32>,
        %parallel_loop3A_202 = arith.index_cast %parallel_loop3A_174 : i32 to index
        %parallel_loop3A_203 = arith.constant 48 : index
        %parallel_loop3A_204 = tpu.vector_load %arg10[%parallel_loop3A_202, %parallel_loop3A_203] {strides = array<i32>} : memref<64x128xf32, #tpu.memory_space<vmem>>, vector<16xf32>,
        tpu.vector_store %arg10[%parallel_loop3A_202, %parallel_loop3A_203], %parallel_loop3A_201 {strides = array<i32>} : memref<64x128xf32, #tpu.memory_space<vmem>>, vector<16xf32>,
        %parallel_loop3A_205 = arith.constant 64 : i32
        %parallel_loop3A_206 = arith.addi %parallel_loop3A_176, %parallel_loop3A_205 : i32
        %parallel_loop3A_207 = arith.index_cast %parallel_loop3A_206 : i32 to index
        %parallel_loop3A_208 = tpu.vector_load %arg8[%parallel_loop3A_207] {strides = array<i32>} : memref<8768xf32, #tpu.memory_space<vmem>>, vector<16xf32>,
        %parallel_loop3A_209 = arith.index_cast %parallel_loop3A_174 : i32 to index
        %parallel_loop3A_210 = arith.constant 64 : index
        %parallel_loop3A_211 = tpu.vector_load %arg10[%parallel_loop3A_209, %parallel_loop3A_210] {strides = array<i32>} : memref<64x128xf32, #tpu.memory_space<vmem>>, vector<16xf32>,
        tpu.vector_store %arg10[%parallel_loop3A_209, %parallel_loop3A_210], %parallel_loop3A_208 {strides = array<i32>} : memref<64x128xf32, #tpu.memory_space<vmem>>, vector<16xf32>,
        %parallel_loop3A_212 = arith.constant 80 : i32
        %parallel_loop3A_213 = arith.addi %parallel_loop3A_176, %parallel_loop3A_212 : i32
        %parallel_loop3A_214 = arith.index_cast %parallel_loop3A_213 : i32 to index
        %parallel_loop3A_215 = tpu.vector_load %arg8[%parallel_loop3A_214] {strides = array<i32>} : memref<8768xf32, #tpu.memory_space<vmem>>, vector<16xf32>,
        %parallel_loop3A_216 = arith.index_cast %parallel_loop3A_174 : i32 to index
        %parallel_loop3A_217 = arith.constant 80 : index
        %parallel_loop3A_218 = tpu.vector_load %arg10[%parallel_loop3A_216, %parallel_loop3A_217] {strides = array<i32>} : memref<64x128xf32, #tpu.memory_space<vmem>>, vector<16xf32>,
        tpu.vector_store %arg10[%parallel_loop3A_216, %parallel_loop3A_217], %parallel_loop3A_215 {strides = array<i32>} : memref<64x128xf32, #tpu.memory_space<vmem>>, vector<16xf32>,
        %parallel_loop3A_219 = arith.constant 96 : i32
        %parallel_loop3A_220 = arith.addi %parallel_loop3A_176, %parallel_loop3A_219 : i32
        %parallel_loop3A_221 = arith.index_cast %parallel_loop3A_220 : i32 to index
        %parallel_loop3A_222 = tpu.vector_load %arg8[%parallel_loop3A_221] {strides = array<i32>} : memref<8768xf32, #tpu.memory_space<vmem>>, vector<16xf32>,
        %parallel_loop3A_223 = arith.index_cast %parallel_loop3A_174 : i32 to index
        %parallel_loop3A_224 = arith.constant 96 : index
        %parallel_loop3A_225 = tpu.vector_load %arg10[%parallel_loop3A_223, %parallel_loop3A_224] {strides = array<i32>} : memref<64x128xf32, #tpu.memory_space<vmem>>, vector<16xf32>,
        tpu.vector_store %arg10[%parallel_loop3A_223, %parallel_loop3A_224], %parallel_loop3A_222 {strides = array<i32>} : memref<64x128xf32, #tpu.memory_space<vmem>>, vector<16xf32>,
        %parallel_loop3A_226 = arith.constant 112 : i32
        %parallel_loop3A_227 = arith.addi %parallel_loop3A_176, %parallel_loop3A_226 : i32
        %parallel_loop3A_228 = arith.index_cast %parallel_loop3A_227 : i32 to index
        %parallel_loop3A_229 = tpu.vector_load %arg8[%parallel_loop3A_228] {strides = array<i32>} : memref<8768xf32, #tpu.memory_space<vmem>>, vector<16xf32>,
        %parallel_loop3A_230 = arith.index_cast %parallel_loop3A_174 : i32 to index
        %parallel_loop3A_231 = arith.constant 112 : index
        %parallel_loop3A_232 = tpu.vector_load %arg10[%parallel_loop3A_230, %parallel_loop3A_231] {strides = array<i32>} : memref<64x128xf32, #tpu.memory_space<vmem>>, vector<16xf32>,
        tpu.vector_store %arg10[%parallel_loop3A_230, %parallel_loop3A_231], %parallel_loop3A_229 {strides = array<i32>} : memref<64x128xf32, #tpu.memory_space<vmem>>, vector<16xf32>,
      } {sc.loop_unroll_factor = 4 : i64, sc.parallel_access}
      %add3A_131 = arith.constant 2 : i32
      %add3A_132 = arith.addi %add3A_114, %add3A_131 : i32
      %lt3A_133 = arith.constant 200 : i32
      %lt3A_134 = arith.cmpi slt, %add3A_132, %lt3A_133 : i32
      %convert_element_type3A_135 = arith.extui %lt3A_134 : i1 to i32
      %cond3A_136 = arith.constant 0 : i32
      %cond3A_137 = arith.cmpi ne, %convert_element_type3A_135, %cond3A_136 : i32
      scf.if %cond3A_137 {
        %add3A_174 = arith.constant 2 : i32
        %add3A_175 = arith.addi %add3A_114, %add3A_174 : i32
        %mul3A_176 = arith.constant 128 : i32
        %mul3A_177 = arith.muli %add3A_175, %mul3A_176 : i32
        %dma_start3A_178 = tpu.memref_slice %arg5[%mul3A_177] : memref<25600xi32, #tpu.memory_space<vmem>> -> memref<128xi32, #tpu.memory_space<vmem>>
        %dma_start3A_179 = arith.constant 0 : i32
        %dma_start3A_180 = arith.constant 0 : i32
        %dma_start3A_181 = tpu.memref_slice %arg2[%dma_start3A_179, %dma_start3A_180] : memref<1000000x128xf32, #tpu.memory_space<hbm>> -> memref<1000000x128xf32, #tpu.memory_space<hbm>>
        tpu.enqueue_indirect_dma source(%dma_start3A_181 : memref<1000000x128xf32, #tpu.memory_space<hbm>>) target(%arg7 : memref<128x128xf32, #tpu.memory_space<vmem>>) offsets(%dma_start3A_178 : memref<128xi32, #tpu.memory_space<vmem>>) semaphore(%arg12 : memref<!tpu.dma_semaphore, #tpu.memory_space<semaphore_mem>>)
      } else {
      }
      %add3A_138 = arith.addi %mul3A_2, %add3A_114 : i32
      %jit3A_139 = arith.constant 32 : i32
      %div3A_140 = arith.divsi %add3A_138, %jit3A_139 : i32
      %sign3A_141 = arith.constant 0 : i32
      %sign3A_142 = arith.cmpi sgt, %add3A_138, %sign3A_141 : i32
      %sign3A_143 = arith.extui %sign3A_142 : i1 to i32
      %sign3A_144 = arith.constant 0 : i32
      %sign3A_145 = arith.cmpi slt, %add3A_138, %sign3A_144 : i32
      %sign3A_146 = arith.extui %sign3A_145 : i1 to i32
      %sign3A_147 = arith.subi %sign3A_143, %sign3A_146 : i32
      %sign3A_148 = arith.constant 0 : i32
      %sign3A_149 = arith.cmpi sgt, %jit3A_139, %sign3A_148 : i32
      %sign3A_150 = arith.extui %sign3A_149 : i1 to i32
      %sign3A_151 = arith.constant 0 : i32
      %sign3A_152 = arith.cmpi slt, %jit3A_139, %sign3A_151 : i32
      %sign3A_153 = arith.extui %sign3A_152 : i1 to i32
      %sign3A_154 = arith.subi %sign3A_150, %sign3A_153 : i32
      %ne3A_155 = arith.cmpi ne, %sign3A_147, %sign3A_154 : i32
      %rem3A_156 = arith.remsi %add3A_138, %jit3A_139 : i32
      %ne3A_157 = arith.constant 0 : i32
      %ne3A_158 = arith.cmpi ne, %rem3A_156, %ne3A_157 : i32
      %and3A_159 = arith.andi %ne3A_155, %ne3A_158 : i1
      %sub3A_160 = arith.constant 1 : i32
      %sub3A_161 = arith.subi %div3A_140, %sub3A_160 : i32
      %select_n3A_162 = arith.select %and3A_159, %sub3A_161, %div3A_140 : i32
      %rem3A_163 = arith.constant 32 : i32
      %rem3A_164 = arith.remsi %add3A_138, %rem3A_163 : i32
      %mul3A_165 = arith.constant 128 : i32
      %mul3A_166 = arith.muli %rem3A_164, %mul3A_165 : i32
      %dma_start3A_167 = arith.constant 0 : i32
      %dma_start3A_168 = tpu.memref_slice %arg4[%select_n3A_162, %dma_start3A_167, %mul3A_166] : memref<200x64x4096xf32, #tpu.memory_space<hbm>> -> memref<1x64x128xf32, #tpu.memory_space<hbm>>
      %dma_start3A_169 = tpu.memref_squeeze %dma_start3A_168 : memref<1x64x128xf32, #tpu.memory_space<hbm>> -> memref<64x128xf32, #tpu.memory_space<hbm>>
      %dma_start3A_170 = arith.constant 0 : i32
      %dma_start3A_171 = tpu.memref_slice %arg4[%select_n3A_162, %dma_start3A_170, %mul3A_166] : memref<200x64x4096xf32, #tpu.memory_space<hbm>> -> memref<1x64x128xf32, #tpu.memory_space<hbm>>
      %dma_start3A_172 = tpu.memref_squeeze %dma_start3A_171 : memref<1x64x128xf32, #tpu.memory_space<hbm>> -> memref<64x128xf32, #tpu.memory_space<hbm>>
      tpu.enqueue_dma source(%arg10 : memref<64x128xf32, #tpu.memory_space<vmem>>) target(%dma_start3A_172 : memref<64x128xf32, #tpu.memory_space<hbm>>) target_semaphore(%arg14 : memref<!tpu.dma_semaphore, #tpu.memory_space<semaphore_mem>>)
      %scan3A_173 = arith.constant 0 : i32
      scf.yield %scan3A_173 : i32
    }
    %scan3A_46 = arith.constant 100 : i32
    %dma_wait3A = arith.constant 0 : i32
    %dma_wait3A_47 = arith.constant 0 : i32
    %dma_wait3A_48 = arith.constant 0 : i32
    %dma_wait3A_49 = tpu.memref_slice %arg4[%dma_wait3A, %dma_wait3A_47, %dma_wait3A_48] : memref<200x64x4096xf32, #tpu.memory_space<hbm>> -> memref<1x64x128xf32, #tpu.memory_space<hbm>>
    %dma_wait3A_50 = tpu.memref_squeeze %dma_wait3A_49 : memref<1x64x128xf32, #tpu.memory_space<hbm>> -> memref<64x128xf32, #tpu.memory_space<hbm>>
    %dma_wait3A_51 = arith.constant 0 : i32
    %dma_wait3A_52 = arith.constant 0 : i32
    %dma_wait3A_53 = tpu.memref_slice %arg4[%dma_wait3A, %dma_wait3A_51, %dma_wait3A_52] : memref<200x64x4096xf32, #tpu.memory_space<hbm>> -> memref<1x64x128xf32, #tpu.memory_space<hbm>>
    %dma_wait3A_54 = tpu.memref_squeeze %dma_wait3A_53 : memref<1x64x128xf32, #tpu.memory_space<hbm>> -> memref<64x128xf32, #tpu.memory_space<hbm>>
    tpu.wait_dma2 semaphore(%arg13 : memref<!tpu.dma_semaphore, #tpu.memory_space<semaphore_mem>>) src(%arg9 : memref<64x128xf32, #tpu.memory_space<vmem>>) dst(%dma_wait3A_54 : memref<64x128xf32, #tpu.memory_space<hbm>>)
    %dma_wait3A_55 = arith.constant 0 : i32
    %dma_wait3A_56 = arith.constant 0 : i32
    %dma_wait3A_57 = arith.constant 0 : i32
    %dma_wait3A_58 = tpu.memref_slice %arg4[%dma_wait3A_55, %dma_wait3A_56, %dma_wait3A_57] : memref<200x64x4096xf32, #tpu.memory_space<hbm>> -> memref<1x64x128xf32, #tpu.memory_space<hbm>>
    %dma_wait3A_59 = tpu.memref_squeeze %dma_wait3A_58 : memref<1x64x128xf32, #tpu.memory_space<hbm>> -> memref<64x128xf32, #tpu.memory_space<hbm>>
    %dma_wait3A_60 = arith.constant 0 : i32
    %dma_wait3A_61 = arith.constant 0 : i32
    %dma_wait3A_62 = tpu.memref_slice %arg4[%dma_wait3A_55, %dma_wait3A_60, %dma_wait3A_61] : memref<200x64x4096xf32, #tpu.memory_space<hbm>> -> memref<1x64x128xf32, #tpu.memory_space<hbm>>
    %dma_wait3A_63 = tpu.memref_squeeze %dma_wait3A_62 : memref<1x64x128xf32, #tpu.memory_space<hbm>> -> memref<64x128xf32, #tpu.memory_space<hbm>>
    tpu.wait_dma2 semaphore(%arg14 : memref<!tpu.dma_semaphore, #tpu.memory_space<semaphore_mem>>) src(%arg10 : memref<64x128xf32, #tpu.memory_space<vmem>>) dst(%dma_wait3A_63 : memref<64x128xf32, #tpu.memory_space<hbm>>)
    return
  }
}

</mosaic_0001>

<sc_bundles>
// kernel: kernel.3.cloned.1.call-start
scs
__scs_entry_jumppad:
0x0: {  	(pc) =	sbr.rel $0x88, $3  }
0x1: {  	(tag) =	ssettag $0x0;
	lr =	simm.s32 $0x1  }
0x2: {  	[smem:$0x3F9F] =	sst lr;
	_ =	strace $0xD0000000  }
0x3: {  	_ = 	snop  }
0x4: {  	_ = 	snop  }
0x5: {  	_ = 	snop  }
0x6: {  	_ = 	snop  }
0x7: {  	_ = 	snop  }
__scs_overlays_trampoline_lowered:
0x8: {  	[smem:$0x3FAE] =	sst s0  }
0x9: {  	[smem:$0x3FAF] =	sst s1  }
0xa: {  	[smem:$0x3FB0] =	sst s2  }
0xb: {  	[smem:$0x3FB1] =	sst s3  }
0xc: {  	[smem:$0x3FB2] =	sst s4  }
0xd: {  	[smem:$0x3FB3] =	sst s5  }
0xe: {  	[smem:$0x3FB4] =	sst s6  }
0xf: {  	[smem:$0x3FB5] =	sst s7  }
0x10: {  	[smem:$0x3FB6] =	sst s8  }
0x11: {  	[smem:$0x3FB7] =	sst s9;
	s0 =	simm.s32 @!p0 $0x0  }
0x12: {  	s1 =	sld [smem:$0x3F9D];
	s0 =	simm.s32 @p0 $0x1  }
0x13: {  	[smem:$0x3FB8] =	sst s0;
	s0 =	simm.s32 @!p1 $0x0  }
0x14: {  	s2 =	sld [smem:$0x3F9C];
	s0 =	simm.s32 @p1 $0x1  }
0x15: {  	[smem:$0x3FB9] =	sst s0;
	s0 =	simm.s32 @!p2 $0x0  }
0x16: {  	s3 =	sld [smem:$0x3FDB];
	s0 =	simm.s32 @p2 $0x1  }
0x17: {  	s4 =	simm.s32 $0x1BF5;
	[smem:$0x3FBB] =	sst s0  }
0x18: {  	s0 =	sld [smem:$0x3F9E];
	_ =	swait.ge [sflag:s4], $0x0  }
0x19: {  	s7 =	sld [smem:$0x3F9F]  }
0x1a: {  	s8 =	sadd.s32 $0xFFFFE003, lr  }
0x1b: {  	s9 =	sadd.s32 $0xFFFFFEF7, lr;
	s5 =	simm.s32 $0xFFFFFFFF;
	p2 =	slt.u32 s8, $0xFFFFF086  }
0x1c: {  	p1 =	slt.u32 s9, $0xF7A;
	s5 =	simm.s32 @!p2 $0x0  }
0x1d: {  	s5 =	simm.s32 @p1 $0x1;
	p0 =	seq.s32 s7, s2  }
0x1e: {  	s7 =	smul.u32 @!p0 $0xF7A, s2;
	p2 =	seq.s32 @!p0 s5, $0x0  }
0x1f: {  	s9 =	smul.u32 $0xF7A, s1;
	s8 =	simm.s32 @!p0 $0x1BF5;
	p2 =	por !p2, p0  }
0x20: {  	[sflag:s8] =	ssyncset.s32 @!p0 $0xFFFFF086;
	s6 =	sadd.s32 @!p0 s3, s7;
	s7 =	simm.s32 @!p0 $0x108  }
0x21: {  	s3 =	sadd.s32 s3, s9;
	s6 =	sadd.s32 @!p0 $0x88, s6;
	s7 =	simm.s32 @p2 $0x1082  }
0x22: {  	[simem:s7], [sflag:s8] =	dma.local @!p0 [hbm:s6], $0xF7A  }
0x23: {  	s9 =	sor.u32 $0xD0000000, s2;
	s6 =	simm.s32 $0x108;
	_ =	swait.ge @!p0 [sflag:s8], $0x0  }
0x24: {  	s3 =	sadd.s32 $0x88, s3;
	s6 =	simm.s32 @!p1 $0x1082;
	[sflag:s4] =	ssyncset.s32 $0xFFFFF086  }
0x25: {  	[simem:s6], [sflag:s4] =	dma.local [hbm:s3], $0xF7A  }
0x26: {  	[smem:$0x3F9F] =	sst s1;
	(tag) =	ssettag s2;
	_ =	strace s9  }
0x27: {  	s1 =	sld [smem:$0x3FAF]  }
0x28: {  	s2 =	sld [smem:$0x3FB0]  }
0x29: {  	s4 =	sld [smem:$0x3FB2]  }
0x2a: {  	p0 =	seq.s32 s5, $0x0;
	s5 =	sld [smem:$0x3FB3]  }
0x2b: {  	s6 =	sld [smem:$0x3FB4]  }
0x2c: {  	s7 =	sld [smem:$0x3FB5]  }
0x2d: {  	s3 =	simm.s32 $0x108;
	s8 =	sld [smem:$0x3FB6]  }
0x2e: {  	s3 =	simm.s32 @!p0 $0x1082;
	s9 =	sld [smem:$0x3FB7]  }
0x2f: {  	lr =	sadd.s32 s0, s3;
	s0 =	sld [smem:$0x3FAE]  }
0x30: {  	s3 =	sld [smem:$0x3FB1]  }
0x31: {  	[smem:$0x3FBA] =	sst s10  }
0x32: {  	s10 =	sld [smem:$0x3FB8];
	_ =	sdelay $0x3  }
0x33: {  	p0 =	seq.s32 s10, $0x1;
	s10 =	sld [smem:$0x3FBA];
	_ =	sdelay $0x3  }
0x34: {  	[smem:$0x3FBA] =	sst s10  }
0x35: {  	s10 =	sld [smem:$0x3FB9];
	_ =	sdelay $0x3  }
0x36: {  	p1 =	seq.s32 s10, $0x1;
	s10 =	sld [smem:$0x3FBA];
	_ =	sdelay $0x3  }
0x37: {  	[smem:$0x3FBA] =	sst s10  }
0x38: {  	s10 =	sld [smem:$0x3FBB]  }
0x39: {  	_ = 	snop;
	(pc) =	sbr.ind lr, $3  }
0x3a: {  	_ = 	snop  }
0x3b: {  	_ = 	snop  }
0x3c: {  	p2 =	seq.s32 s10, $0x1;
	s10 =	sld [smem:$0x3FBA]  }
0x3d: {  	_ =	shalt  }
0x3e: {  	_ =	shalt  }
0x3f: {  	_ =	shalt  }
0x40: {  	_ =	shalt  }
0x41: {  	_ =	shalt  }
0x42: {  	_ =	shalt  }
0x43: {  	_ =	shalt  }
0x44: {  	_ =	shalt  }
0x45: {  	_ =	shalt  }
0x46: {  	_ =	shalt  }
0x47: {  	_ =	shalt  }
0x48: {  	_ =	shalt  }
0x49: {  	_ =	shalt  }
0x4a: {  	_ =	shalt  }
0x4b: {  	_ =	shalt  }
0x4c: {  	_ =	shalt  }
0x4d: {  	_ =	shalt  }
0x4e: {  	_ =	shalt  }
0x4f: {  	_ =	shalt  }
0x50: {  	_ =	shalt  }
0x51: {  	_ =	shalt  }
0x52: {  	_ =	shalt  }
0x53: {  	_ =	shalt  }
0x54: {  	_ =	shalt  }
0x55: {  	_ =	shalt  }
0x56: {  	_ =	shalt  }
0x57: {  	_ =	shalt  }
0x58: {  	_ =	shalt  }
0x59: {  	_ =	shalt  }
0x5a: {  	_ =	shalt  }
0x5b: {  	_ =	shalt  }
0x5c: {  	_ =	shalt  }
0x5d: {  	_ =	shalt  }
0x5e: {  	_ =	shalt  }
0x5f: {  	_ =	shalt  }
0x60: {  	_ =	shalt  }
0x61: {  	_ =	shalt  }
0x62: {  	_ =	shalt  }
0x63: {  	_ =	shalt  }
0x64: {  	_ =	shalt  }
0x65: {  	_ =	shalt  }
0x66: {  	_ =	shalt  }
0x67: {  	_ =	shalt  }
0x68: {  	_ =	shalt  }
0x69: {  	_ =	shalt  }
0x6a: {  	_ =	shalt  }
0x6b: {  	_ =	shalt  }
0x6c: {  	_ =	shalt  }
0x6d: {  	_ =	shalt  }
0x6e: {  	_ =	shalt  }
0x6f: {  	_ =	shalt  }
0x70: {  	_ =	shalt  }
0x71: {  	_ =	shalt  }
0x72: {  	_ =	shalt  }
0x73: {  	_ =	shalt  }
0x74: {  	_ =	shalt  }
0x75: {  	_ =	shalt  }
0x76: {  	_ =	shalt  }
0x77: {  	_ =	shalt  }
0x78: {  	_ =	shalt  }
0x79: {  	_ =	shalt  }
0x7a: {  	_ =	shalt  }
0x7b: {  	_ =	shalt  }
0x7c: {  	_ =	shalt  }
0x7d: {  	_ =	shalt  }
0x7e: {  	_ =	shalt  }
0x7f: {  	_ =	shalt  }
0x80: {  	_ =	shalt  }
0x81: {  	_ =	shalt  }
0x82: {  	_ =	shalt  }
0x83: {  	_ =	shalt  }
0x84: {  	_ =	shalt  }
0x85: {  	_ =	shalt  }
0x86: {  	_ =	shalt  }
0x87: {  	_ =	shalt  }
.Lfunc_end0:
.L_simem_size_0:
called_computation_lowered:
.L_overlay_start_0:
0x88: {  	s2 =	sld [smem:$0x3FD9]  }
0x89: {  	s3 =	sld [smem:$0x3FFE];
	_ =	sdelay $0x1  }
0x8a: {  	s1 =	srdreg.scid  }
0x8b: {  	s0 =	sand.u32 $0x1, s1  }
0x8c: {  	s17 =	sshll.u32 s0, $0xA;
	s2 =	sadd.s32 s3, s2  }
0x8d: {  	s2 =	sadd.s32 s2, s17  }
0x8e: {  	[smem:$0x3FC6] =	sst s2  }
0x8f: {  	_ = 	snop  }
0x90: {  	s2 =	sld [smem:$0x3FD0];
	(tm) =	ssettm $0x1  }
0x91: {  	s18 =	sld [smem:$0x3FFB];
	_ =	sdelay $0x3  }
0x92: {  	_ =	strace s18  }
0x93: {  	s3 =	sld [smem:$0x3FFC];
	_ =	sdelay $0x3  }
0x94: {  	_ =	strace s3  }
0x95: {  	s3 =	sld [smem:$0x3FFD];
	_ =	sdelay $0x3  }
0x96: {  	_ =	strace s3  }
0x97: {  	_ =	strace $0x8FFFFFFF  }
0x98: {  	s19 =	sld [smem:$0x3FDB];
	_ =	sdelay $0x1  }
0x99: {  	s4 =	simm.s32 $_scs_section_size  }
0x9a: {  	s5 =	simm.s32 $_size__tile_overlayer_lowered;
	s6 =	simm.s32 $_tile_overlayer_lowered  }
0x9b: {  	s22 =	simm.s32 $0x1BFF;
	s21 =	sshll.u32 s6, $0x1;
	s3 =	sadd.s32 s4, s19  }
0x9c: {  	s7 =	simm.s32 $0x0;
	s20 =	sshll.u32 s5, $0x1;
	s5 =	sadd.s32 s21, s3  }
0x9d: {  	[timem:s7], [sflag:s22] =	dma.local [hbm:s5], s20  }
0x9e: {  	_ =	swait.ge [sflag:s22], s20  }
0x9f: {  	s4 =	ssub.s32 $0x0, s20;
	[sflag:s22] =	ssyncset.done $0x0  }
0xa0: {  	[sflag:s22] =	ssyncadd.s32 s4;
	_ =	sdelay $0x1  }
0xa1: {  	s23 =	simm.s32 $0x1B8B  }
0xa2: {  	_ =	swait.ge [sflag:s23], $0x1  }
0xa3: {  	[sflag:s23] =	ssyncset.done $0x0  }
0xa4: {  	s25 =	simm.s32 $0x1B8E;
	s24 =	sld [smem:$0x3FFE];
	[sflag:s23] =	ssyncadd.s32 $0xFFFFFFFF  }
0xa5: {  	s26 =	simm.s32 $execute0_lowered;
	[smem:$0x3FD2] =	sst s25  }
0xa6: {  	s5 =	sshll.u32 s26, $0x1;
	_ =	strace $0x80000046;
	[dreg:$0x1] =	wrdreg $0xFFFFFFFF  }
0xa7: {  	s28 =	simm.s32 $_size_execute0_lowered;
	s3 =	sadd.s32 s3, s5;
	[dreg:$0x0] =	wrdreg $0x0  }
0xa8: {  	s5 =	sshll.u32 s28, $0x1;
	[dreg:$0x2] =	wrdreg s3  }
0xa9: {  	[dreg:$0x3] =	wrdreg s5  }
0xaa: {  	[dreg:$0x4] =	wrdreg $0xC0  }
0xab: {  	_ =	task [dreg:s7], $0x5FFFF  }
0xac: {  	[dreg:$0x1] =	wrdreg $0xFFFFFFFF  }
0xad: {  	[dreg:$0x0] =	wrdreg $0x60  }
0xae: {  	[dreg:$0x2] =	wrdreg s24  }
0xaf: {  	[dreg:$0x3] =	wrdreg s2  }
0xb0: {  	[dreg:$0x4] =	wrdreg $0x9  }
0xb1: {  	_ =	task.clear_ibuf [dreg:s7], $0x5FFFF;
	_ =	strace $0x90000046  }
0xb2: {  	s29 =	simm.s32 $0x9;
	_ =	strace $0x80000048  }
0xb3: {  	_ =	swait.ge [sflag:s29], $0x1  }
0xb4: {  	[sflag:s29] =	ssyncadd.s32 $0xFFFFFFFF  }
0xb5: {  	_ =	strace $0x90000048  }
0xb6: {  	_ =	sfence  }
0xb7: {  	s30 =	sld [smem:$0x0];
	_ =	sdelay $0x2  }
0xb8: {  	s31 =	sshll.u32 s1, $0xD;
	s1 =	sshrl.u32 s1, $0x2  }
0xb9: {  	s3 =	sand.u32 $0x4000, s31;
	s1 =	sadd.s32 s1, s30  }
0xba: {  	s0 =	sor.u32 s3, s0;
	s1 =	sshll.u32 s1, $0x11  }
0xbb: {  	s0 =	sor.u32 s1, s0  }
0xbc: {  	s0 =	sadd.s32 $0x8F2B, s0  }
0xbd: {  	[sflag:s0] =	ssyncadd.remote.s32 $0x1  }
0xbe: {  	_ =	sfence.sel $0xFFFF  }
0xbf: {  	[dreg:$0x0] =	wrdreg $0xFFFFFFFF;
	(pc) =	sbr.abs _section_cstart, $3  }
0xc0: {  	[dreg:$0x1] =	wrdreg $0xFFFFFFFF  }
0xc1: {  	_ =	task.clear_ibuf [dreg:s7], $0x2FFFF;
	_ =	strace $0x9FFFFFFF  }
0xc2: {  	(tm) =	ssettm $0x7FFFFFFF  }
0xc3: {  	_ =	shalt  }
tec
execute0_lowered:
.L_overlay_start_1:
0x0: {  	(tag) =	ssettag $0x1  }
0x1: {  	s0 =	rddreg [dreg:$0x0];
	s1 =	srdreg.scid  }
0x2: {  	s3 =	stileid.u32;
	s2 =	rddreg [dreg:$0x1]  }
0x3: {  	s8 =	simm.s32 $0x5;
	s12 =	simm.s32 $0x1;
	s13 =	simm.s32 $0xE400  }
0x4: {  	s14 =	simm.s32 $0x400;
	s15 =	simm.s32 $0x8000;
	s16 =	simm.s32 $0x10680  }
0x5: {  	s17 =	simm.s32 $0x2;
	s18 =	simm.s32 $0x12680;
	s19 =	simm.s32 $0x3  }
0x6: {  	s20 =	simm.s32 $0x4;
	s1 =	sand.u32 $0x1, s1;
	s4 =	sshll.u32 s3, $0x1  }
.Ltmp0:
0x7: {  	s21 =	simm.s32 $0x0;
	s5 =	sor.u32 s1, s4;
	(pc) =	sbr.rel .LBB2_1-.Ltmp0, $4  }
0x8: {  	v0 =	vlaneseq.u32;
	s3 =	simm.s32 $0x0;
	s1 =	ssub.s32 $0x2, s1;
	s6 =	smul.u32 $0xC80, s5  }
0x9: {  	v0 =	vmul.u32 $0x89, v0;
	[smem:$0x7FF] =	sst s3;
	s4 =	sadd.s32 $0xF5BA00, s0;
	s31 =	sshrl.u32 s1, $0x1  }
0xa: {  	_ =	strace $0x80000047;
	s1 =	ssub.s32 s1, s31;
	s0 =	sadd.s32 s6, s0  }
0xb: {  	s5 =	smul.u32 $0xC8, s5;
	v1 =	vadd.s32 $0x890, v0;
	v2 =	vadd.s32 $0x1120, v0;
	v3 =	vadd.s32 $0x19B0, v0;
	s7 =	smax.u32 s1, $0x1;
	s6 =	sadd.s32 $0xF42A00, s0  }
.LBB2_19:
0xc: {  	s21 =	sadd.s32 $0x1, s21  }
0xd: {  	_ =	swait.ge [sflag:s19], $0x2000;
	p0 =	sne.s32 s21, s7  }
.Ltmp1:
0xe: {  	[sflag:s19] =	ssyncset.done $0x0;
	(pc) =	sbr.rel @!p0 .LBB2_20-.Ltmp1, $4  }
0xf: {  	[sflag:s19] =	ssyncadd.s32 $0xFFFFE000  }
0x10: {  	_ =	swait.ge [sflag:s20], $0x2000  }
0x11: {  	[sflag:s20] =	ssyncset.done $0x0  }
0x12: {  	[sflag:s20] =	ssyncadd.s32 $0xFFFFE000  }
.LBB2_1:
0x13: {  	[tilespmem:s3], [sflag:$0x5] =	stream.linear.gather [hbm4b:s6+s3], $0x6400, $0x38;
	[tilespmem:$0x14680] =	vst v63  }
0x14: {  	_ =	swait.ge [sflag:s8], $0x6400  }
0x15: {  	[sflag:s8] =	ssyncset.done $0x0  }
0x16: {  	s0 =	simm.s32 $0x80;
	s1 =	simm.s32 $0x6400;
	[sflag:s8] =	ssyncadd.s32 $0xFFFF9C00  }
0x17: {  	[tilespmem:s1], [sflag:$0x1] =	stream.indirect.gather [hbm4b:s4+s0], $0x80, s3, s0, $0xb8;
	[tilespmem:$0x14680] =	vst v63  }
0x18: {  	s31 =	simm.s32 $0xA400;
	s22 =	simm.s32 $0x0  }
0x19: {  	[tilespmem:s31], [sflag:$0x2] =	stream.indirect.gather [hbm4b:s4+s0], $0x80, s0, s0, $0xb8;
	[tilespmem:$0x14680] =	vst v63  }
.LBB2_2:
0x1a: {  	_ =	swait.ge [sflag:s12], $0x4000  }
0x1b: {  	p1 =	seq.s32 s22, $0x0;
	[sflag:s12] =	ssyncset.done $0x0  }
0x1c: {  	s0 =	simm.s32 @!p1 $0x3;
	[sflag:s12] =	ssyncadd.s32 $0xFFFFC000  }
0x1d: {  	_ =	swait.ge @!p1 [sflag:s0], $0x2000  }
0x1e: {  	[sflag:s0] =	ssyncset.done @!p1 $0x0  }
0x1f: {  	s31 =	simm.s32 $0x6600;
	[sflag:s0] =	ssyncadd.s32 @!p1 $0xFFFFE000  }
0x20: {  	v4 =	vld [tilespmem:s31+$0x180]  }
0x21: {  	s24 =	simm.s32 $0x7;
	v5 =	vld [tilespmem:s31+$0xFFFFFE80]  }
0x22: {  	s25 =	simm.s32 $0x1;
	v7 =	vadd.s32 s24, v0;
	v6 =	vld [tilespmem:s31+$0xFFFFFF00]  }
0x23: {  	s11 =	simm.s32 $0x2;
	v8 =	vadd.s32 s25, v0;
	v9 =	vld [tilespmem:s31+$0xFFFFFF80]  }
0x24: {  	s1 =	simm.s32 $0x3;
	v10 =	vadd.s32 s11, v0;
	v11 =	vld [tilespmem:s31+$0x0]  }
0x25: {  	s23 =	simm.s32 $0x4;
	v12 =	vadd.s32 s1, v0;
	v13 =	vld [tilespmem:s31+$0x80];
	v4 =	vmul.f32 $8.000000000e+00, v4  }
0x26: {  	s9 =	simm.s32 $0x5;
	v14 =	vadd.s32 s23, v0;
	v15 =	vld [tilespmem:s31+$0x100];
	v5 =	vmul.f32 $8.000000000e+00, v5  }
0x27: {  	s10 =	simm.s32 $0x6;
	v17 =	vadd.s32 s9, v0;
	v16 =	vld [tilespmem:s31+$0xFFFFFE00];
	v6 =	vmul.f32 $8.000000000e+00, v6;
	[tilespmem:v7+s13+$0x0] =	vst.idx.msk $0xffff, v4  }
0x28: {  	s26 =	simm.s32 $0x0;
	[tilespmem:v8+s13+$0x0] =	vst.idx.msk $0xffff, v5;
	v4 =	vmul.f32 $8.000000000e+00, v9;
	v5 =	vadd.s32 s10, v0;
	v7 =	vld [tilespmem:s31+$0x190]  }
0x29: {  	v8 =	vadd.s32 s26, v0;
	[tilespmem:v10+s13+$0x0] =	vst.idx.msk $0xffff, v6;
	v6 =	vmul.f32 $8.000000000e+00, v11;
	v9 =	vld [tilespmem:s31+$0xFFFFFE90]  }
0x2a: {  	v11 =	vadd.s32 s24, v1;
	v10 =	vld [tilespmem:s31+$0xFFFFFF10];
	[tilespmem:v12+s13+$0x0] =	vst.idx.msk $0xffff, v4;
	v4 =	vmul.f32 $8.000000000e+00, v13  }
0x2b: {  	v12 =	vadd.s32 s25, v1;
	[tilespmem:v14+s13+$0x0] =	vst.idx.msk $0xffff, v6;
	v6 =	vmul.f32 $8.000000000e+00, v15;
	v13 =	vld [tilespmem:s31+$0xFFFFFF90]  }
0x2c: {  	v14 =	vmul.f32 $8.000000000e+00, v16;
	v15 =	vadd.s32 s11, v1;
	v16 =	vld [tilespmem:s31+$0x10];
	[tilespmem:v17+s13+$0x0] =	vst.idx.msk $0xffff, v4  }
0x2d: {  	v4 =	vadd.s32 s1, v1;
	v17 =	vld [tilespmem:s31+$0x90];
	[tilespmem:v5+s13+$0x0] =	vst.idx.msk $0xffff, v6;
	v5 =	vmul.f32 $8.000000000e+00, v7  }
0x2e: {  	[tilespmem:v8+s13+$0x0] =	vst.idx.msk $0xffff, v14;
	v6 =	vmul.f32 $8.000000000e+00, v9;
	v7 =	vadd.s32 s23, v1;
	v8 =	vld [tilespmem:s31+$0x110]  }
0x2f: {  	v14 =	vadd.s32 s9, v1;
	v9 =	vld [tilespmem:s31+$0xFFFFFE10];
	v10 =	vmul.f32 $8.000000000e+00, v10;
	[tilespmem:v11+s13+$0x0] =	vst.idx.msk $0xffff, v5  }
0x30: {  	[tilespmem:v12+s13+$0x0] =	vst.idx.msk $0xffff, v6;
	v5 =	vmul.f32 $8.000000000e+00, v13;
	v6 =	vadd.s32 s10, v1;
	v11 =	vld [tilespmem:s31+$0x1A0]  }
0x31: {  	v12 =	vadd.s32 s26, v1;
	[tilespmem:v15+s13+$0x0] =	vst.idx.msk $0xffff, v10;
	v10 =	vmul.f32 $8.000000000e+00, v16;
	v13 =	vld [tilespmem:s31+$0xFFFFFEA0]  }
0x32: {  	v15 =	vld [tilespmem:s31+$0xFFFFFF20];
	[tilespmem:v4+s13+$0x0] =	vst.idx.msk $0xffff, v5;
	v4 =	vmul.f32 $8.000000000e+00, v17;
	v5 =	vadd.s32 s24, v2  }
0x33: {  	v16 =	vadd.s32 s25, v2;
	v17 =	vld [tilespmem:s31+$0xFFFFFFA0];
	[tilespmem:v7+s13+$0x0] =	vst.idx.msk $0xffff, v10;
	v7 =	vmul.f32 $8.000000000e+00, v8  }
0x34: {  	v8 =	vmul.f32 $8.000000000e+00, v9;
	v9 =	vadd.s32 s11, v2;
	v10 =	vld [tilespmem:s31+$0x20];
	[tilespmem:v14+s13+$0x0] =	vst.idx.msk $0xffff, v4  }
0x35: {  	v4 =	vadd.s32 s1, v2;
	v14 =	vld [tilespmem:s31+$0xA0];
	[tilespmem:v6+s13+$0x0] =	vst.idx.msk $0xffff, v7;
	v6 =	vmul.f32 $8.000000000e+00, v11  }
0x36: {  	[tilespmem:v12+s13+$0x0] =	vst.idx.msk $0xffff, v8;
	v8 =	vadd.s32 s23, v2;
	v7 =	vmul.f32 $8.000000000e+00, v13;
	v11 =	vld [tilespmem:s31+$0x120]  }
0x37: {  	v12 =	vld [tilespmem:s31+$0xFFFFFE20];
	v13 =	vmul.f32 $8.000000000e+00, v15;
	v15 =	vadd.s32 s9, v2;
	[tilespmem:v5+s13+$0x0] =	vst.idx.msk $0xffff, v6  }
0x38: {  	[tilespmem:v16+s13+$0x0] =	vst.idx.msk $0xffff, v7;
	v5 =	vmul.f32 $8.000000000e+00, v17;
	v7 =	vadd.s32 s10, v2;
	v16 =	vld [tilespmem:s31+$0x1B0]  }
0x39: {  	v17 =	vadd.s32 s26, v2;
	[tilespmem:v9+s13+$0x0] =	vst.idx.msk $0xffff, v13;
	v18 =	vld [tilespmem:s31+$0xFFFFFEB0];
	v6 =	vmul.f32 $8.000000000e+00, v10  }
0x3a: {  	v10 =	vld [tilespmem:s31+$0xFFFFFF30];
	[tilespmem:v4+s13+$0x0] =	vst.idx.msk $0xffff, v5;
	v4 =	vmul.f32 $8.000000000e+00, v14;
	v5 =	vadd.s32 s24, v3  }
0x3b: {  	v19 =	vadd.s32 s25, v3;
	v20 =	vld [tilespmem:s31+$0xFFFFFFB0];
	[tilespmem:v8+s13+$0x0] =	vst.idx.msk $0xffff, v6;
	v8 =	vmul.f32 $8.000000000e+00, v11  }
0x3c: {  	v13 =	vadd.s32 s11, v3;
	v9 =	vmul.f32 $8.000000000e+00, v12;
	v11 =	vld [tilespmem:s31+$0x30];
	[tilespmem:v15+s13+$0x0] =	vst.idx.msk $0xffff, v4  }
0x3d: {  	v12 =	vadd.s32 s1, v3;
	v6 =	vld [tilespmem:s31+$0xB0];
	[tilespmem:v7+s13+$0x0] =	vst.idx.msk $0xffff, v8;
	v8 =	vmul.f32 $8.000000000e+00, v16  }
0x3e: {  	[tilespmem:v17+s13+$0x0] =	vst.idx.msk $0xffff, v9;
	v9 =	vadd.s32 s23, v3;
	v15 =	vmul.f32 $8.000000000e+00, v18;
	v7 =	vld [tilespmem:s31+$0x130]  }
0x3f: {  	s24 =	simm.s32 $0x6A00;
	v4 =	vld [tilespmem:s31+$0xFFFFFE30];
	v14 =	vmul.f32 $8.000000000e+00, v10;
	[tilespmem:v5+s13+$0x0] =	vst.idx.msk $0xffff, v8;
	v8 =	vadd.s32 s9, v3  }
0x40: {  	s28 =	simm.s32 $0x10;
	s25 =	simm.s32 $0x8;
	s23 =	sshll.u32 s22, $0x1;
	v10 =	vadd.s32 s10, v3;
	v5 =	vld [tilespmem:s24+$0x180];
	[tilespmem:v19+s13+$0x0] =	vst.idx.msk $0xffff, v15;
	v15 =	vmul.f32 $8.000000000e+00, v20  }
.LBB2_3:
0x41: {  	p0 =	slt.u32 s28, $0x78;
	v16 =	vld [tilespmem:s24+$0xFFFFFE80];
	s29 =	sadd.s32 $0x7, s25;
	v17 =	vadd.s32 s26, v3;
	[tilespmem:v13+s13+$0x0] =	vst.idx.msk $0xffff, v14;
	v11 =	vmul.f32 $8.000000000e+00, v11;
	s26 =	smov.u32 s25  }
0x42: {  	s25 =	smov.u32 s28;
	s30 =	sadd.s32 $0x1, s26;
	v13 =	vld [tilespmem:s24+$0xFFFFFF00];
	v14 =	vadd.s32 s29, v0;
	[tilespmem:v12+s13+$0x0] =	vst.idx.msk $0xffff, v15;
	v6 =	vmul.f32 $8.000000000e+00, v6  }
0x43: {  	s31 =	sadd.s32 $0x2, s26;
	v12 =	vadd.s32 s30, v0;
	v15 =	vld [tilespmem:s24+$0xFFFFFF80];
	[tilespmem:v9+s13+$0x0] =	vst.idx.msk $0xffff, v11;
	v7 =	vmul.f32 $8.000000000e+00, v7  }
0x44: {  	s0 =	sadd.s32 $0x3, s26;
	v9 =	vadd.s32 s31, v0;
	v11 =	vld [tilespmem:s24+$0x0];
	v4 =	vmul.f32 $8.000000000e+00, v4;
	[tilespmem:v8+s13+$0x0] =	vst.idx.msk $0xffff, v6  }
0x45: {  	s1 =	sadd.s32 $0x4, s26;
	v6 =	vadd.s32 s0, v0;
	v8 =	vld [tilespmem:s24+$0x80];
	v5 =	vmul.f32 $8.000000000e+00, v5;
	[tilespmem:v10+s13+$0x0] =	vst.idx.msk $0xffff, v7  }
0x46: {  	s11 =	sadd.s32 $0x5, s26;
	v10 =	vadd.s32 s1, v0;
	v7 =	vmul.f32 $8.000000000e+00, v16;
	v16 =	vld [tilespmem:s24+$0x100];
	[tilespmem:v17+s13+$0x0] =	vst.idx.msk $0xffff, v4  }
0x47: {  	s10 =	sadd.s32 $0x6, s26;
	v17 =	vadd.s32 s11, v0;
	v4 =	vld [tilespmem:s24+$0xFFFFFE00];
	v13 =	vmul.f32 $8.000000000e+00, v13;
	[tilespmem:v14+s13+$0x0] =	vst.idx.msk $0xffff, v5  }
0x48: {  	[tilespmem:v12+s13+$0x0] =	vst.idx.msk $0xffff, v7;
	v5 =	vmul.f32 $8.000000000e+00, v15;
	v7 =	vadd.s32 s10, v0;
	v12 =	vld [tilespmem:s24+$0x190]  }
0x49: {  	v14 =	vadd.s32 s26, v0;
	v15 =	vld [tilespmem:s24+$0xFFFFFE90];
	[tilespmem:v9+s13+$0x0] =	vst.idx.msk $0xffff, v13;
	v9 =	vmul.f32 $8.000000000e+00, v11  }
0x4a: {  	v11 =	vld [tilespmem:s24+$0xFFFFFF10];
	[tilespmem:v6+s13+$0x0] =	vst.idx.msk $0xffff, v5;
	v5 =	vmul.f32 $8.000000000e+00, v8;
	v6 =	vadd.s32 s29, v1  }
0x4b: {  	v8 =	vadd.s32 s30, v1;
	v13 =	vld [tilespmem:s24+$0xFFFFFF90];
	[tilespmem:v10+s13+$0x0] =	vst.idx.msk $0xffff, v9;
	v9 =	vmul.f32 $8.000000000e+00, v16  }
0x4c: {  	v10 =	vadd.s32 s31, v1;
	v4 =	vmul.f32 $8.000000000e+00, v4;
	v16 =	vld [tilespmem:s24+$0x10];
	[tilespmem:v17+s13+$0x0] =	vst.idx.msk $0xffff, v5  }
0x4d: {  	v5 =	vadd.s32 s0, v1;
	v17 =	vld [tilespmem:s24+$0x90];
	[tilespmem:v7+s13+$0x0] =	vst.idx.msk $0xffff, v9;
	v7 =	vmul.f32 $8.000000000e+00, v12  }
0x4e: {  	v9 =	vadd.s32 s1, v1;
	[tilespmem:v14+s13+$0x0] =	vst.idx.msk $0xffff, v4;
	v4 =	vmul.f32 $8.000000000e+00, v15;
	v12 =	vld [tilespmem:s24+$0x110]  }
0x4f: {  	v15 =	vadd.s32 s11, v1;
	v14 =	vld [tilespmem:s24+$0xFFFFFE10];
	v11 =	vmul.f32 $8.000000000e+00, v11;
	[tilespmem:v6+s13+$0x0] =	vst.idx.msk $0xffff, v7  }
0x50: {  	v6 =	vadd.s32 s10, v1;
	[tilespmem:v8+s13+$0x0] =	vst.idx.msk $0xffff, v4;
	v4 =	vmul.f32 $8.000000000e+00, v13;
	v7 =	vld [tilespmem:s24+$0x1A0]  }
0x51: {  	v8 =	vadd.s32 s26, v1;
	v13 =	vld [tilespmem:s24+$0xFFFFFEA0];
	[tilespmem:v10+s13+$0x0] =	vst.idx.msk $0xffff, v11;
	v10 =	vmul.f32 $8.000000000e+00, v16  }
0x52: {  	v11 =	vld [tilespmem:s24+$0xFFFFFF20];
	[tilespmem:v5+s13+$0x0] =	vst.idx.msk $0xffff, v4;
	v4 =	vmul.f32 $8.000000000e+00, v17;
	v5 =	vadd.s32 s29, v2  }
0x53: {  	v16 =	vadd.s32 s30, v2;
	v17 =	vld [tilespmem:s24+$0xFFFFFFA0];
	[tilespmem:v9+s13+$0x0] =	vst.idx.msk $0xffff, v10;
	v9 =	vmul.f32 $8.000000000e+00, v12  }
0x54: {  	v12 =	vadd.s32 s31, v2;
	v10 =	vmul.f32 $8.000000000e+00, v14;
	v14 =	vld [tilespmem:s24+$0x20];
	[tilespmem:v15+s13+$0x0] =	vst.idx.msk $0xffff, v4  }
0x55: {  	v4 =	vadd.s32 s0, v2;
	v15 =	vld [tilespmem:s24+$0xA0];
	[tilespmem:v6+s13+$0x0] =	vst.idx.msk $0xffff, v9;
	v6 =	vmul.f32 $8.000000000e+00, v7  }
0x56: {  	[tilespmem:v8+s13+$0x0] =	vst.idx.msk $0xffff, v10;
	v7 =	vmul.f32 $8.000000000e+00, v13;
	v8 =	vadd.s32 s1, v2;
	v9 =	vld [tilespmem:s24+$0x120]  }
0x57: {  	v18 =	vadd.s32 s11, v2;
	v10 =	vld [tilespmem:s24+$0xFFFFFE20];
	v11 =	vmul.f32 $8.000000000e+00, v11;
	[tilespmem:v5+s13+$0x0] =	vst.idx.msk $0xffff, v6  }
0x58: {  	[tilespmem:v16+s13+$0x0] =	vst.idx.msk $0xffff, v7;
	v5 =	vmul.f32 $8.000000000e+00, v17;
	v7 =	vadd.s32 s10, v2;
	v16 =	vld [tilespmem:s24+$0x1B0]  }
0x59: {  	v17 =	vadd.s32 s26, v2;
	v19 =	vld [tilespmem:s24+$0xFFFFFEB0];
	[tilespmem:v12+s13+$0x0] =	vst.idx.msk $0xffff, v11;
	v6 =	vmul.f32 $8.000000000e+00, v14  }
0x5a: {  	v14 =	vld [tilespmem:s24+$0xFFFFFF30];
	[tilespmem:v4+s13+$0x0] =	vst.idx.msk $0xffff, v5;
	v4 =	vmul.f32 $8.000000000e+00, v15;
	v5 =	vadd.s32 s29, v3  }
0x5b: {  	v15 =	vadd.s32 s30, v3;
	v20 =	vld [tilespmem:s24+$0xFFFFFFB0];
	[tilespmem:v8+s13+$0x0] =	vst.idx.msk $0xffff, v6;
	v8 =	vmul.f32 $8.000000000e+00, v9  }
.Ltmp2:
0x5c: {  	v13 =	vadd.s32 s31, v3;
	v9 =	vmul.f32 $8.000000000e+00, v10;
	v11 =	vld [tilespmem:s24+$0x30];
	[tilespmem:v18+s13+$0x0] =	vst.idx.msk $0xffff, v4;
	(pc) =	sbr.rel @p0 .LBB2_3-.Ltmp2, $4  }
0x5d: {  	v12 =	vadd.s32 s0, v3;
	v6 =	vld [tilespmem:s24+$0xB0];
	[tilespmem:v7+s13+$0x0] =	vst.idx.msk $0xffff, v8;
	v10 =	vmul.f32 $8.000000000e+00, v16  }
0x5e: {  	[tilespmem:v17+s13+$0x0] =	vst.idx.msk $0xffff, v9;
	v16 =	vmul.f32 $8.000000000e+00, v19;
	v9 =	vadd.s32 s1, v3;
	v7 =	vld [tilespmem:s24+$0x130]  }
0x5f: {  	v8 =	vadd.s32 s11, v3;
	v4 =	vld [tilespmem:s24+$0xFFFFFE30];
	v14 =	vmul.f32 $8.000000000e+00, v14;
	[tilespmem:v5+s13+$0x0] =	vst.idx.msk $0xffff, v10;
	s24 =	sadd.s32 $0x400, s24  }
0x60: {  	s28 =	sadd.s32 $0x8, s28;
	v10 =	vadd.s32 s10, v3;
	v5 =	vld [tilespmem:s24+$0x180];
	[tilespmem:v15+s13+$0x0] =	vst.idx.msk $0xffff, v16;
	v15 =	vmul.f32 $8.000000000e+00, v20  }
0x61: {  	_ =	sdelay $0x3  }
0x62: {  	v16 =	vld [tilespmem:s24+$0xFFFFFE80];
	s0 =	sadd.s32 $0x7, s25;
	v17 =	vadd.s32 s26, v3;
	[tilespmem:v13+s13+$0x0] =	vst.idx.msk $0xffff, v14;
	v11 =	vmul.f32 $8.000000000e+00, v11  }
0x63: {  	s1 =	sadd.s32 $0x1, s25;
	v40 =	vld [tilespmem:s24+$0xFFFFFF00];
	v41 =	vadd.s32 s0, v0;
	[tilespmem:v12+s13+$0x0] =	vst.idx.msk $0xffff, v15;
	v6 =	vmul.f32 $8.000000000e+00, v6  }
0x64: {  	s9 =	sadd.s32 $0x2, s25;
	v43 =	vld [tilespmem:s24+$0xFFFFFF80];
	v42 =	vadd.s32 s1, v0;
	[tilespmem:v9+s13+$0x0] =	vst.idx.msk $0xffff, v11;
	v7 =	vmul.f32 $8.000000000e+00, v7  }
0x65: {  	s11 =	sadd.s32 $0x3, s25;
	v9 =	vadd.s32 s9, v0;
	v11 =	vld [tilespmem:s24+$0x0];
	v4 =	vmul.f32 $8.000000000e+00, v4;
	[tilespmem:v8+s13+$0x0] =	vst.idx.msk $0xffff, v6  }
0x66: {  	s10 =	sadd.s32 $0x4, s25;
	v6 =	vadd.s32 s11, v0;
	v8 =	vld [tilespmem:s24+$0x80];
	v5 =	vmul.f32 $8.000000000e+00, v5;
	[tilespmem:v10+s13+$0x0] =	vst.idx.msk $0xffff, v7  }
0x67: {  	s31 =	sadd.s32 $0x5, s25;
	v44 =	vld [tilespmem:s24+$0x100];
	v10 =	vadd.s32 s10, v0;
	v7 =	vmul.f32 $8.000000000e+00, v16;
	[tilespmem:v17+s13+$0x0] =	vst.idx.msk $0xffff, v4  }
0x68: {  	s28 =	sadd.s32 $0x6, s25;
	v45 =	vadd.s32 s31, v0;
	v4 =	vld [tilespmem:s24+$0xFFFFFE00];
	v13 =	vmul.f32 $8.000000000e+00, v40;
	[tilespmem:v41+s13+$0x0] =	vst.idx.msk $0xffff, v5  }
0x69: {  	v5 =	vmul.f32 $8.000000000e+00, v43;
	[tilespmem:v42+s13+$0x0] =	vst.idx.msk $0xffff, v7;
	v7 =	vadd.s32 s28, v0;
	v46 =	vld [tilespmem:s24+$0x190]  }
0x6a: {  	v47 =	vadd.s32 s25, v0;
	[tilespmem:v9+s13+$0x0] =	vst.idx.msk $0xffff, v13;
	v9 =	vmul.f32 $8.000000000e+00, v11;
	v48 =	vld [tilespmem:s24+$0xFFFFFE90]  }
0x6b: {  	v11 =	vld [tilespmem:s24+$0xFFFFFF10];
	[tilespmem:v6+s13+$0x0] =	vst.idx.msk $0xffff, v5;
	v5 =	vmul.f32 $8.000000000e+00, v8;
	v6 =	vadd.s32 s0, v1  }
0x6c: {  	v8 =	vadd.s32 s1, v1;
	v49 =	vld [tilespmem:s24+$0xFFFFFF90];
	[tilespmem:v10+s13+$0x0] =	vst.idx.msk $0xffff, v9;
	v9 =	vmul.f32 $8.000000000e+00, v44  }
0x6d: {  	v10 =	vadd.s32 s9, v1;
	v4 =	vmul.f32 $8.000000000e+00, v4;
	v50 =	vld [tilespmem:s24+$0x10];
	[tilespmem:v45+s13+$0x0] =	vst.idx.msk $0xffff, v5  }
0x6e: {  	v5 =	vadd.s32 s11, v1;
	v17 =	vld [tilespmem:s24+$0x90];
	[tilespmem:v7+s13+$0x0] =	vst.idx.msk $0xffff, v9;
	v7 =	vmul.f32 $8.000000000e+00, v46  }
0x6f: {  	[tilespmem:v47+s13+$0x0] =	vst.idx.msk $0xffff, v4;
	v9 =	vadd.s32 s10, v1;
	v4 =	vmul.f32 $8.000000000e+00, v48;
	v51 =	vld [tilespmem:s24+$0x110]  }
0x70: {  	v52 =	vadd.s32 s31, v1;
	v14 =	vld [tilespmem:s24+$0xFFFFFE10];
	v11 =	vmul.f32 $8.000000000e+00, v11;
	[tilespmem:v6+s13+$0x0] =	vst.idx.msk $0xffff, v7  }
0x71: {  	v6 =	vadd.s32 s28, v1;
	[tilespmem:v8+s13+$0x0] =	vst.idx.msk $0xffff, v4;
	v4 =	vmul.f32 $8.000000000e+00, v49;
	v7 =	vld [tilespmem:s24+$0x1A0]  }
0x72: {  	v8 =	vadd.s32 s25, v1;
	[tilespmem:v10+s13+$0x0] =	vst.idx.msk $0xffff, v11;
	v10 =	vmul.f32 $8.000000000e+00, v50;
	v53 =	vld [tilespmem:s24+$0xFFFFFEA0]  }
0x73: {  	v11 =	vld [tilespmem:s24+$0xFFFFFF20];
	[tilespmem:v5+s13+$0x0] =	vst.idx.msk $0xffff, v4;
	v4 =	vmul.f32 $8.000000000e+00, v17;
	v5 =	vadd.s32 s0, v2  }
0x74: {  	v54 =	vadd.s32 s1, v2;
	[tilespmem:v9+s13+$0x0] =	vst.idx.msk $0xffff, v10;
	v55 =	vld [tilespmem:s24+$0xFFFFFFA0];
	v9 =	vmul.f32 $8.000000000e+00, v51  }
0x75: {  	v56 =	vadd.s32 s9, v2;
	v10 =	vmul.f32 $8.000000000e+00, v14;
	v57 =	vld [tilespmem:s24+$0x20];
	[tilespmem:v52+s13+$0x0] =	vst.idx.msk $0xffff, v4  }
0x76: {  	v4 =	vadd.s32 s11, v2;
	v15 =	vld [tilespmem:s24+$0xA0];
	[tilespmem:v6+s13+$0x0] =	vst.idx.msk $0xffff, v9;
	v6 =	vmul.f32 $8.000000000e+00, v7  }
0x77: {  	[tilespmem:v8+s13+$0x0] =	vst.idx.msk $0xffff, v10;
	v8 =	vadd.s32 s10, v2;
	v7 =	vmul.f32 $8.000000000e+00, v53;
	v9 =	vld [tilespmem:s24+$0x120]  }
0x78: {  	v58 =	vadd.s32 s31, v2;
	v10 =	vld [tilespmem:s24+$0xFFFFFE20];
	v11 =	vmul.f32 $8.000000000e+00, v11;
	[tilespmem:v5+s13+$0x0] =	vst.idx.msk $0xffff, v6  }
0x79: {  	v6 =	vadd.s32 s28, v2;
	[tilespmem:v54+s13+$0x0] =	vst.idx.msk $0xffff, v7;
	v5 =	vmul.f32 $8.000000000e+00, v55;
	v7 =	vld [tilespmem:s24+$0x1B0]  }
0x7a: {  	v59 =	vadd.s32 s25, v2;
	[tilespmem:v56+s13+$0x0] =	vst.idx.msk $0xffff, v11;
	v11 =	vmul.f32 $8.000000000e+00, v57;
	v60 =	vld [tilespmem:s24+$0xFFFFFEB0]  }
0x7b: {  	v12 =	vld [tilespmem:s24+$0xFFFFFF30];
	[tilespmem:v4+s13+$0x0] =	vst.idx.msk $0xffff, v5;
	v4 =	vmul.f32 $8.000000000e+00, v15;
	v5 =	vadd.s32 s0, v3  }
0x7c: {  	v61 =	vadd.s32 s1, v3;
	[tilespmem:v8+s13+$0x0] =	vst.idx.msk $0xffff, v11;
	v62 =	vld [tilespmem:s24+$0xFFFFFFB0];
	v8 =	vmul.f32 $8.000000000e+00, v9  }
0x7d: {  	v9 =	vmul.f32 $8.000000000e+00, v10;
	v10 =	vadd.s32 s9, v3;
	v11 =	vld [tilespmem:s24+$0x30];
	[tilespmem:v58+s13+$0x0] =	vst.idx.msk $0xffff, v4  }
0x7e: {  	v4 =	vadd.s32 s11, v3;
	v13 =	vld [tilespmem:s24+$0xB0];
	[tilespmem:v6+s13+$0x0] =	vst.idx.msk $0xffff, v8;
	v6 =	vmul.f32 $8.000000000e+00, v7  }
0x7f: {  	[tilespmem:v59+s13+$0x0] =	vst.idx.msk $0xffff, v9;
	v8 =	vadd.s32 s10, v3;
	v7 =	vmul.f32 $8.000000000e+00, v60;
	v9 =	vld [tilespmem:s24+$0x130]  }
0x80: {  	v63 =	vadd.s32 s31, v3;
	v16 =	vld [tilespmem:s24+$0xFFFFFE30];
	v12 =	vmul.f32 $8.000000000e+00, v12;
	[tilespmem:v5+s13+$0x0] =	vst.idx.msk $0xffff, v6  }
0x81: {  	v6 =	vadd.s32 s28, v3;
	[tilespmem:v61+s13+$0x0] =	vst.idx.msk $0xffff, v7;
	v5 =	vmul.f32 $8.000000000e+00, v62  }
0x82: {  	v7 =	vadd.s32 s25, v3;
	[tilespmem:v10+s13+$0x0] =	vst.idx.msk $0xffff, v12;
	v10 =	vmul.f32 $8.000000000e+00, v11  }
0x83: {  	[tilespmem:v4+s13+$0x0] =	vst.idx.msk $0xffff, v5;
	v4 =	vmul.f32 $8.000000000e+00, v13  }
0x84: {  	[tilespmem:v8+s13+$0x0] =	vst.idx.msk $0xffff, v10;
	v5 =	vmul.f32 $8.000000000e+00, v9  }
0x85: {  	v8 =	vmul.f32 $8.000000000e+00, v16;
	[tilespmem:v63+s13+$0x0] =	vst.idx.msk $0xffff, v4  }
0x86: {  	[tilespmem:v6+s13+$0x0] =	vst.idx.msk $0xffff, v5  }
0x87: {  	s28 =	simm.s32 $0xE512;
	[tilespmem:v7+s13+$0x0] =	vst.idx.msk $0xffff, v8  }
0x88: {  	v4 =	vld [tilespmem:s28+$0x89]  }
0x89: {  	v5 =	vld [tilespmem:s28+$0xFFFFFF77]  }
0x8a: {  	v6 =	vld [tilespmem:s28+$0x0];
	_ =	sdelay $0x1  }
0x8b: {  	s24 =	simm.s32 $0x10780  }
0x8c: {  	v7 =	vld [tilespmem:s28+$0xFFFFFEEE];
	[tilespmem:s24+$0x80] =	vst v4  }
0x8d: {  	[tilespmem:s24+$0xFFFFFF80] =	vst v5;
	v4 =	vld [tilespmem:s28+$0x99]  }
0x8e: {  	[tilespmem:s24+$0x0] =	vst v6;
	v5 =	vld [tilespmem:s28+$0xFFFFFF87]  }
0x8f: {  	v6 =	vld [tilespmem:s28+$0x10];
	_ =	sdelay $0x1  }
0x90: {  	[tilespmem:s24+$0xFFFFFF00] =	vst v7  }
0x91: {  	v7 =	vld [tilespmem:s28+$0xFFFFFEFE];
	[tilespmem:s24+$0x90] =	vst v4  }
0x92: {  	[tilespmem:s24+$0xFFFFFF90] =	vst v5;
	v4 =	vld [tilespmem:s28+$0xA9]  }
0x93: {  	[tilespmem:s24+$0x10] =	vst v6;
	v5 =	vld [tilespmem:s28+$0xFFFFFF97]  }
0x94: {  	v6 =	vld [tilespmem:s28+$0x20];
	_ =	sdelay $0x1  }
0x95: {  	[tilespmem:s24+$0xFFFFFF10] =	vst v7  }
0x96: {  	v7 =	vld [tilespmem:s28+$0xFFFFFF0E];
	[tilespmem:s24+$0xA0] =	vst v4  }
0x97: {  	[tilespmem:s24+$0xFFFFFFA0] =	vst v5;
	v4 =	vld [tilespmem:s28+$0xB9]  }
0x98: {  	[tilespmem:s24+$0x20] =	vst v6;
	v5 =	vld [tilespmem:s28+$0xFFFFFFA7]  }
0x99: {  	v6 =	vld [tilespmem:s28+$0x30];
	_ =	sdelay $0x1  }
0x9a: {  	[tilespmem:s24+$0xFFFFFF20] =	vst v7  }
0x9b: {  	v7 =	vld [tilespmem:s28+$0xFFFFFF1E];
	[tilespmem:s24+$0xB0] =	vst v4  }
0x9c: {  	[tilespmem:s24+$0xFFFFFFB0] =	vst v5;
	v5 =	vld [tilespmem:s28+$0xC9]  }
0x9d: {  	[tilespmem:s24+$0x30] =	vst v6;
	v8 =	vld [tilespmem:s28+$0xFFFFFFB7]  }
0x9e: {  	p2 =	por $0x1, $0x1;
	v6 =	vld [tilespmem:s28+$0x40]  }
.Ltmp3:
0x9f: {  	_ = 	snop;
	(pc) =	sbr.rel @!p2 .LBB2_5-.Ltmp3, $4  }
0xa0: {  	[tilespmem:s24+$0xFFFFFF30] =	vst v7  }
0xa1: {  	v4 =	vld [tilespmem:s28+$0xFFFFFF2E];
	[tilespmem:s24+$0xC0] =	vst v5  }
0xa2: {  	[tilespmem:s24+$0xFFFFFFC0] =	vst v8;
	v8 =	vld [tilespmem:s28+$0xD9]  }
0xa3: {  	s26 =	simm.s32 $0xE736;
	p0 =	por $0x0, $0x0;
	[tilespmem:s24+$0x40] =	vst v6;
	v7 =	vld [tilespmem:s28+$0xFFFFFFC7]  }
0xa4: {  	v5 =	vld [tilespmem:s26+$0x89]  }
0xa5: {  	v6 =	vld [tilespmem:s26+$0xFFFFFF77]  }
0xa6: {  	[tilespmem:s24+$0xFFFFFF40] =	vst v4;
	v4 =	vld [tilespmem:s26+$0x0]  }
0xa7: {  	v9 =	vld [tilespmem:s26+$0xFFFFFEEE];
	[tilespmem:s24+$0xD0] =	vst v8  }
0xa8: {  	s25 =	simm.s32 $0x10980;
	[tilespmem:s24+$0xFFFFFFD0] =	vst v7;
	v7 =	vld [tilespmem:s28+$0xE9]  }
0xa9: {  	[tilespmem:s25+$0x80] =	vst v5;
	v5 =	vld [tilespmem:s28+$0xFFFFFF3E]  }
0xaa: {  	[tilespmem:s25+$0xFFFFFF80] =	vst v6;
	v6 =	vld [tilespmem:s26+$0x99]  }
0xab: {  	v8 =	vld [tilespmem:s26+$0xFFFFFF87];
	[tilespmem:s25+$0x0] =	vst v4  }
0xac: {  	[tilespmem:s25+$0xFFFFFF00] =	vst v9;
	v4 =	vld [tilespmem:s26+$0x10]  }
0xad: {  	v9 =	vld [tilespmem:s26+$0xFFFFFEFE];
	[tilespmem:s24+$0xE0] =	vst v7  }
0xae: {  	[tilespmem:s24+$0xFFFFFF50] =	vst v5;
	v5 =	vld [tilespmem:s28+$0xF9]  }
0xaf: {  	[tilespmem:s25+$0x90] =	vst v6;
	v6 =	vld [tilespmem:s28+$0x50]  }
0xb0: {  	[tilespmem:s25+$0xFFFFFF90] =	vst v8;
	v7 =	vld [tilespmem:s26+$0xA9]  }
0xb1: {  	v8 =	vld [tilespmem:s26+$0xFFFFFF97];
	[tilespmem:s25+$0x10] =	vst v4  }
0xb2: {  	[tilespmem:s25+$0xFFFFFF10] =	vst v9;
	v4 =	vld [tilespmem:s26+$0x20]  }
0xb3: {  	v9 =	vld [tilespmem:s26+$0xFFFFFF0E];
	[tilespmem:s24+$0xF0] =	vst v5  }
0xb4: {  	v5 =	vld [tilespmem:s28+$0xFFFFFF4E];
	[tilespmem:s24+$0x50] =	vst v6  }
0xb5: {  	v6 =	vld [tilespmem:s28+$0xFFFFFFD7];
	[tilespmem:s25+$0xA0] =	vst v7  }
0xb6: {  	[tilespmem:s25+$0xFFFFFFA0] =	vst v8;
	v7 =	vld [tilespmem:s26+$0xB9]  }
0xb7: {  	v8 =	vld [tilespmem:s26+$0xFFFFFFA7];
	[tilespmem:s25+$0x20] =	vst v4  }
0xb8: {  	[tilespmem:s25+$0xFFFFFF20] =	vst v9;
	v4 =	vld [tilespmem:s26+$0x30]  }
0xb9: {  	v9 =	vld [tilespmem:s26+$0xFFFFFF1E];
	[tilespmem:s24+$0xFFFFFF60] =	vst v5  }
0xba: {  	v5 =	vld [tilespmem:s28+$0x60];
	[tilespmem:s24+$0xFFFFFFE0] =	vst v6  }
0xbb: {  	v6 =	vld [tilespmem:s28+$0xFFFFFF5E];
	[tilespmem:s25+$0xB0] =	vst v7  }
0xbc: {  	[tilespmem:s25+$0xFFFFFFB0] =	vst v8;
	v7 =	vld [tilespmem:s26+$0xC9]  }
0xbd: {  	v8 =	vld [tilespmem:s26+$0xFFFFFFB7];
	[tilespmem:s25+$0x30] =	vst v4  }
0xbe: {  	p2 =	por $0x1, $0x1;
	[tilespmem:s25+$0xFFFFFF30] =	vst v9;
	v9 =	vld [tilespmem:s26+$0x40]  }
.Ltmp4:
0xbf: {  	v4 =	vld [tilespmem:s26+$0xFFFFFF2E];
	[tilespmem:s24+$0x60] =	vst v5;
	(pc) =	sbr.rel @!p2 .LBB2_7-.Ltmp4, $4  }
0xc0: {  	v5 =	vld [tilespmem:s28+$0xFFFFFFE7];
	[tilespmem:s24+$0xFFFFFF70] =	vst v6  }
0xc1: {  	v6 =	vld [tilespmem:s28+$0x70];
	[tilespmem:s25+$0xC0] =	vst v7  }
0xc2: {  	[tilespmem:s25+$0xFFFFFFC0] =	vst v8;
	v8 =	vld [tilespmem:s26+$0xD9]  }
0xc3: {  	s0 =	simm.s32 $0x4;
	s1 =	simm.s32 $0xE95A;
	p0 =	por $0x1, $0x1;
	v7 =	vld [tilespmem:s26+$0xFFFFFFC7];
	[tilespmem:s25+$0x40] =	vst v9  }
.LBB2_8:
0xc4: {  	v9 =	vld [tilespmem:s1+$0x89];
	s0 =	sadd.s32 $0x4, s0;
	[tilespmem:s25+$0xFFFFFF40] =	vst v4  }
0xc5: {  	v4 =	vld [tilespmem:s1+$0xFFFFFF77];
	p2 =	slt.u32 s0, $0x3C;
	[tilespmem:s24+$0xFFFFFFF0] =	vst v5  }
0xc6: {  	v5 =	vld [tilespmem:s1+$0x0];
	[tilespmem:s24+$0x70] =	vst v6;
	s24 =	smov.u32 s25  }
0xc7: {  	v6 =	vld [tilespmem:s1+$0xFFFFFEEE];
	[tilespmem:s25+$0xD0] =	vst v8  }
0xc8: {  	s25 =	sadd.s32 $0x200, s25;
	[tilespmem:s24+$0xFFFFFFD0] =	vst v7;
	v7 =	vld [tilespmem:s26+$0xE9]  }
0xc9: {  	[tilespmem:s25+$0x80] =	vst v9;
	v8 =	vld [tilespmem:s26+$0xFFFFFF3E]  }
0xca: {  	[tilespmem:s25+$0xFFFFFF80] =	vst v4;
	v4 =	vld [tilespmem:s1+$0x99]  }
0xcb: {  	v9 =	vld [tilespmem:s1+$0xFFFFFF87];
	[tilespmem:s25+$0x0] =	vst v5  }
0xcc: {  	[tilespmem:s25+$0xFFFFFF00] =	vst v6;
	v5 =	vld [tilespmem:s1+$0x10]  }
0xcd: {  	v6 =	vld [tilespmem:s1+$0xFFFFFEFE];
	[tilespmem:s24+$0xE0] =	vst v7  }
0xce: {  	[tilespmem:s24+$0xFFFFFF50] =	vst v8;
	v7 =	vld [tilespmem:s26+$0xF9]  }
0xcf: {  	[tilespmem:s25+$0x90] =	vst v4;
	v4 =	vld [tilespmem:s26+$0x50]  }
0xd0: {  	[tilespmem:s25+$0xFFFFFF90] =	vst v9;
	v8 =	vld [tilespmem:s1+$0xA9]  }
0xd1: {  	v9 =	vld [tilespmem:s1+$0xFFFFFF97];
	[tilespmem:s25+$0x10] =	vst v5  }
0xd2: {  	[tilespmem:s25+$0xFFFFFF10] =	vst v6;
	v5 =	vld [tilespmem:s1+$0x20]  }
0xd3: {  	v6 =	vld [tilespmem:s1+$0xFFFFFF0E];
	[tilespmem:s24+$0xF0] =	vst v7  }
0xd4: {  	v7 =	vld [tilespmem:s26+$0xFFFFFF4E];
	[tilespmem:s24+$0x50] =	vst v4  }
0xd5: {  	[tilespmem:s25+$0xA0] =	vst v8;
	v4 =	vld [tilespmem:s26+$0xFFFFFFD7]  }
0xd6: {  	[tilespmem:s25+$0xFFFFFFA0] =	vst v9;
	v8 =	vld [tilespmem:s1+$0xB9]  }
0xd7: {  	v9 =	vld [tilespmem:s1+$0xFFFFFFA7];
	[tilespmem:s25+$0x20] =	vst v5  }
0xd8: {  	[tilespmem:s25+$0xFFFFFF20] =	vst v6;
	v5 =	vld [tilespmem:s1+$0x30]  }
0xd9: {  	v6 =	vld [tilespmem:s1+$0xFFFFFF1E];
	[tilespmem:s24+$0xFFFFFF60] =	vst v7  }
0xda: {  	[tilespmem:s24+$0xFFFFFFE0] =	vst v4;
	v7 =	vld [tilespmem:s26+$0x60]  }
0xdb: {  	[tilespmem:s25+$0xB0] =	vst v8;
	v8 =	vld [tilespmem:s26+$0xFFFFFF5E]  }
0xdc: {  	[tilespmem:s25+$0xFFFFFFB0] =	vst v9;
	v9 =	vld [tilespmem:s1+$0xC9]  }
0xdd: {  	v10 =	vld [tilespmem:s1+$0xFFFFFFB7];
	[tilespmem:s25+$0x30] =	vst v5  }
0xde: {  	[tilespmem:s25+$0xFFFFFF30] =	vst v6;
	v11 =	vld [tilespmem:s1+$0x40]  }
.Ltmp5:
0xdf: {  	v4 =	vld [tilespmem:s1+$0xFFFFFF2E];
	[tilespmem:s24+$0x60] =	vst v7;
	(pc) =	sbr.rel @p2 .LBB2_8-.Ltmp5, $4  }
0xe0: {  	[tilespmem:s24+$0xFFFFFF70] =	vst v8;
	v5 =	vld [tilespmem:s26+$0xFFFFFFE7]  }
0xe1: {  	[tilespmem:s25+$0xC0] =	vst v9;
	v6 =	vld [tilespmem:s26+$0x70];
	s26 =	smov.u32 s1  }
0xe2: {  	[tilespmem:s25+$0xFFFFFFC0] =	vst v10;
	v8 =	vld [tilespmem:s1+$0xD9]  }
0xe3: {  	s1 =	sadd.s32 $0x224, s1;
	v7 =	vld [tilespmem:s26+$0xFFFFFFC7];
	[tilespmem:s25+$0x40] =	vst v11  }
0xe4: {  	s28 =	smov.u32 s26  }
.LBB2_10:
0xe5: {  	[tilespmem:s25+$0xFFFFFF40] =	vst v4;
	v9 =	vld [tilespmem:s28+$0x50]  }
0xe6: {  	v4 =	vld [tilespmem:s28+$0xFFFFFF3E];
	_ =	sdelay $0x1  }
0xe7: {  	[tilespmem:s25+$0xD0] =	vst v8  }
0xe8: {  	v8 =	vld [tilespmem:s28+$0xE9];
	[tilespmem:s25+$0xFFFFFFD0] =	vst v7  }
0xe9: {  	v7 =	vld [tilespmem:s28+$0xFFFFFFD7];
	[tilespmem:s25+$0x50] =	vst v9  }
0xea: {  	[tilespmem:s25+$0xFFFFFF50] =	vst v4;
	v9 =	vld [tilespmem:s28+$0x60]  }
0xeb: {  	v4 =	vld [tilespmem:s28+$0xFFFFFF4E]  }
0xec: {  	[tilespmem:s24+$0xFFFFFFF0] =	vst @p0 v5  }
0xed: {  	[tilespmem:s25+$0xE0] =	vst v8  }
0xee: {  	v8 =	vld [tilespmem:s28+$0xF9];
	[tilespmem:s25+$0xFFFFFFE0] =	vst v7  }
0xef: {  	v7 =	vld [tilespmem:s28+$0xFFFFFFE7];
	[tilespmem:s25+$0x60] =	vst v9  }
0xf0: {  	[tilespmem:s25+$0xFFFFFF60] =	vst v4;
	v5 =	vld [tilespmem:s28+$0x70]  }
0xf1: {  	v4 =	vld [tilespmem:s28+$0xFFFFFF5E]  }
0xf2: {  	[tilespmem:s24+$0x70] =	vst @p0 v6  }
0xf3: {  	p0 =	seq.s32 s22, $0x63;
	[tilespmem:s25+$0xF0] =	vst v8  }
0xf4: {  	s30 =	sadd.s32 s5, s23;
	s0 =	sshll.u32 @!p0 s22, $0x8;
	[tilespmem:s25+$0xFFFFFFF0] =	vst v7  }
0xf5: {  	s31 =	sshll.u32 s30, $0x7;
	s24 =	sand.u32 @!p0 $0x3FFFFF00, s0;
	[tilespmem:s25+$0x70] =	vst v5  }
0xf6: {  	s1 =	simm.s32 @!p0 $0x80;
	s9 =	simm.s32 @!p0 $0x6400;
	s0 =	sadd.s32 @!p0 $0x100, s24;
	[tilespmem:s25+$0xFFFFFF70] =	vst v4  }
0xf7: {  	[tilespmem:s9], [sflag:$0x1] =	stream.indirect.gather @!p0 [hbm4b:s4+s1], $0x80, s0, s1, $0xb8;
	[tilespmem:$0x14680] =	vst v63  }
0xf8: {  	s0 =	sshll.u32 s30, $0xA;
	s1 =	sand.u32 $0xF00, s31  }
0xf9: {  	s0 =	sand.u32 $0xFFF8000, s0;
	s1 =	sadd.s32 s2, s1  }
0xfa: {  	s0 =	sadd.s32 s0, s1  }
0xfb: {  	[hbm4b:s0+s14] =	stream.strided.scatter [tilespmem:s16], [sflag:$0x3], $0x2000, s15, s14, $0x38;
	[tilespmem:$0x14680] =	vst v63  }
0xfc: {  	_ =	swait.ge [sflag:s17], $0x4000  }
0xfd: {  	[sflag:s17] =	ssyncset.done $0x0  }
0xfe: {  	s0 =	simm.s32 @!p1 $0x4;
	[sflag:s17] =	ssyncadd.s32 $0xFFFFC000  }
0xff: {  	_ =	swait.ge @!p1 [sflag:s0], $0x2000  }
0x100: {  	[sflag:s0] =	ssyncset.done @!p1 $0x0  }
0x101: {  	s9 =	simm.s32 $0xA600;
	[sflag:s0] =	ssyncadd.s32 @!p1 $0xFFFFE000  }
0x102: {  	v4 =	vld [tilespmem:s9+$0x180]  }
0x103: {  	s26 =	simm.s32 $0x7;
	v5 =	vld [tilespmem:s9+$0xFFFFFE80]  }
0x104: {  	s29 =	simm.s32 $0x1;
	v7 =	vadd.s32 s26, v0;
	v6 =	vld [tilespmem:s9+$0xFFFFFF00]  }
0x105: {  	s11 =	simm.s32 $0x2;
	v8 =	vadd.s32 s29, v0;
	v9 =	vld [tilespmem:s9+$0xFFFFFF80]  }
0x106: {  	v10 =	vadd.s32 s11, v0;
	s25 =	simm.s32 $0x3;
	v11 =	vld [tilespmem:s9+$0x0]  }
0x107: {  	v12 =	vadd.s32 s25, v0;
	s30 =	simm.s32 $0x4;
	v13 =	vld [tilespmem:s9+$0x80];
	v4 =	vmul.f32 $8.000000000e+00, v4  }
0x108: {  	s31 =	simm.s32 $0x5;
	v14 =	vadd.s32 s30, v0;
	v15 =	vld [tilespmem:s9+$0x100];
	v5 =	vmul.f32 $8.000000000e+00, v5  }
0x109: {  	s10 =	simm.s32 $0x6;
	v17 =	vadd.s32 s31, v0;
	v16 =	vld [tilespmem:s9+$0xFFFFFE00];
	v6 =	vmul.f32 $8.000000000e+00, v6;
	[tilespmem:v7+s13+$0x0] =	vst.idx.msk $0xffff, v4  }
0x10a: {  	s28 =	simm.s32 $0x0;
	[tilespmem:v8+s13+$0x0] =	vst.idx.msk $0xffff, v5;
	v4 =	vmul.f32 $8.000000000e+00, v9;
	v5 =	vadd.s32 s10, v0;
	v7 =	vld [tilespmem:s9+$0x190]  }
0x10b: {  	v8 =	vadd.s32 s28, v0;
	[tilespmem:v10+s13+$0x0] =	vst.idx.msk $0xffff, v6;
	v6 =	vmul.f32 $8.000000000e+00, v11;
	v9 =	vld [tilespmem:s9+$0xFFFFFE90]  }
0x10c: {  	v11 =	vadd.s32 s26, v1;
	v10 =	vld [tilespmem:s9+$0xFFFFFF10];
	[tilespmem:v12+s13+$0x0] =	vst.idx.msk $0xffff, v4;
	v4 =	vmul.f32 $8.000000000e+00, v13  }
0x10d: {  	v12 =	vadd.s32 s29, v1;
	[tilespmem:v14+s13+$0x0] =	vst.idx.msk $0xffff, v6;
	v6 =	vmul.f32 $8.000000000e+00, v15;
	v13 =	vld [tilespmem:s9+$0xFFFFFF90]  }
0x10e: {  	v14 =	vmul.f32 $8.000000000e+00, v16;
	v15 =	vadd.s32 s11, v1;
	v16 =	vld [tilespmem:s9+$0x10];
	[tilespmem:v17+s13+$0x0] =	vst.idx.msk $0xffff, v4  }
0x10f: {  	v4 =	vadd.s32 s25, v1;
	v17 =	vld [tilespmem:s9+$0x90];
	[tilespmem:v5+s13+$0x0] =	vst.idx.msk $0xffff, v6;
	v5 =	vmul.f32 $8.000000000e+00, v7  }
0x110: {  	[tilespmem:v8+s13+$0x0] =	vst.idx.msk $0xffff, v14;
	v6 =	vmul.f32 $8.000000000e+00, v9;
	v7 =	vadd.s32 s30, v1;
	v8 =	vld [tilespmem:s9+$0x110]  }
0x111: {  	v14 =	vadd.s32 s31, v1;
	v9 =	vld [tilespmem:s9+$0xFFFFFE10];
	v10 =	vmul.f32 $8.000000000e+00, v10;
	[tilespmem:v11+s13+$0x0] =	vst.idx.msk $0xffff, v5  }
0x112: {  	[tilespmem:v12+s13+$0x0] =	vst.idx.msk $0xffff, v6;
	v5 =	vmul.f32 $8.000000000e+00, v13;
	v6 =	vadd.s32 s10, v1;
	v11 =	vld [tilespmem:s9+$0x1A0]  }
0x113: {  	v12 =	vadd.s32 s28, v1;
	[tilespmem:v15+s13+$0x0] =	vst.idx.msk $0xffff, v10;
	v10 =	vmul.f32 $8.000000000e+00, v16;
	v13 =	vld [tilespmem:s9+$0xFFFFFEA0]  }
0x114: {  	v15 =	vld [tilespmem:s9+$0xFFFFFF20];
	[tilespmem:v4+s13+$0x0] =	vst.idx.msk $0xffff, v5;
	v4 =	vmul.f32 $8.000000000e+00, v17;
	v5 =	vadd.s32 s26, v2  }
0x115: {  	v16 =	vadd.s32 s29, v2;
	v17 =	vld [tilespmem:s9+$0xFFFFFFA0];
	[tilespmem:v7+s13+$0x0] =	vst.idx.msk $0xffff, v10;
	v7 =	vmul.f32 $8.000000000e+00, v8  }
0x116: {  	v8 =	vmul.f32 $8.000000000e+00, v9;
	v9 =	vadd.s32 s11, v2;
	v10 =	vld [tilespmem:s9+$0x20];
	[tilespmem:v14+s13+$0x0] =	vst.idx.msk $0xffff, v4  }
0x117: {  	v4 =	vadd.s32 s25, v2;
	v14 =	vld [tilespmem:s9+$0xA0];
	[tilespmem:v6+s13+$0x0] =	vst.idx.msk $0xffff, v7;
	v6 =	vmul.f32 $8.000000000e+00, v11  }
0x118: {  	[tilespmem:v12+s13+$0x0] =	vst.idx.msk $0xffff, v8;
	v8 =	vadd.s32 s30, v2;
	v7 =	vmul.f32 $8.000000000e+00, v13;
	v11 =	vld [tilespmem:s9+$0x120]  }
0x119: {  	v12 =	vld [tilespmem:s9+$0xFFFFFE20];
	v13 =	vmul.f32 $8.000000000e+00, v15;
	v15 =	vadd.s32 s31, v2;
	[tilespmem:v5+s13+$0x0] =	vst.idx.msk $0xffff, v6  }
0x11a: {  	[tilespmem:v16+s13+$0x0] =	vst.idx.msk $0xffff, v7;
	v5 =	vmul.f32 $8.000000000e+00, v17;
	v7 =	vadd.s32 s10, v2;
	v16 =	vld [tilespmem:s9+$0x1B0]  }
0x11b: {  	v17 =	vadd.s32 s28, v2;
	[tilespmem:v9+s13+$0x0] =	vst.idx.msk $0xffff, v13;
	v18 =	vld [tilespmem:s9+$0xFFFFFEB0];
	v6 =	vmul.f32 $8.000000000e+00, v10  }
0x11c: {  	v10 =	vld [tilespmem:s9+$0xFFFFFF30];
	[tilespmem:v4+s13+$0x0] =	vst.idx.msk $0xffff, v5;
	v4 =	vmul.f32 $8.000000000e+00, v14;
	v5 =	vadd.s32 s26, v3  }
0x11d: {  	v19 =	vadd.s32 s29, v3;
	v20 =	vld [tilespmem:s9+$0xFFFFFFB0];
	[tilespmem:v8+s13+$0x0] =	vst.idx.msk $0xffff, v6;
	v8 =	vmul.f32 $8.000000000e+00, v11  }
0x11e: {  	v13 =	vadd.s32 s11, v3;
	v9 =	vmul.f32 $8.000000000e+00, v12;
	v11 =	vld [tilespmem:s9+$0x30];
	[tilespmem:v15+s13+$0x0] =	vst.idx.msk $0xffff, v4  }
0x11f: {  	v12 =	vadd.s32 s25, v3;
	v6 =	vld [tilespmem:s9+$0xB0];
	[tilespmem:v7+s13+$0x0] =	vst.idx.msk $0xffff, v8;
	v8 =	vmul.f32 $8.000000000e+00, v16  }
0x120: {  	[tilespmem:v17+s13+$0x0] =	vst.idx.msk $0xffff, v9;
	v9 =	vadd.s32 s30, v3;
	v15 =	vmul.f32 $8.000000000e+00, v18;
	v7 =	vld [tilespmem:s9+$0x130]  }
0x121: {  	s25 =	simm.s32 $0xAA00;
	v4 =	vld [tilespmem:s9+$0xFFFFFE30];
	v14 =	vmul.f32 $8.000000000e+00, v10;
	[tilespmem:v5+s13+$0x0] =	vst.idx.msk $0xffff, v8;
	v8 =	vadd.s32 s31, v3  }
0x122: {  	s23 =	sor.u32 $0x1, s23;
	s29 =	simm.s32 $0x10;
	s26 =	simm.s32 $0x8;
	v10 =	vadd.s32 s10, v3;
	v5 =	vld [tilespmem:s25+$0x180];
	[tilespmem:v19+s13+$0x0] =	vst.idx.msk $0xffff, v15;
	v15 =	vmul.f32 $8.000000000e+00, v20  }
.LBB2_11:
0x123: {  	p1 =	slt.u32 s29, $0x78;
	v16 =	vld [tilespmem:s25+$0xFFFFFE80];
	s30 =	sadd.s32 $0x7, s26;
	v17 =	vadd.s32 s28, v3;
	[tilespmem:v13+s13+$0x0] =	vst.idx.msk $0xffff, v14;
	v11 =	vmul.f32 $8.000000000e+00, v11;
	s28 =	smov.u32 s26  }
0x124: {  	s26 =	smov.u32 s29;
	s31 =	sadd.s32 $0x1, s28;
	v13 =	vld [tilespmem:s25+$0xFFFFFF00];
	v14 =	vadd.s32 s30, v0;
	[tilespmem:v12+s13+$0x0] =	vst.idx.msk $0xffff, v15;
	v6 =	vmul.f32 $8.000000000e+00, v6  }
0x125: {  	s1 =	sadd.s32 $0x2, s28;
	v12 =	vadd.s32 s31, v0;
	v15 =	vld [tilespmem:s25+$0xFFFFFF80];
	[tilespmem:v9+s13+$0x0] =	vst.idx.msk $0xffff, v11;
	v7 =	vmul.f32 $8.000000000e+00, v7  }
0x126: {  	s10 =	sadd.s32 $0x3, s28;
	v9 =	vadd.s32 s1, v0;
	v11 =	vld [tilespmem:s25+$0x0];
	v4 =	vmul.f32 $8.000000000e+00, v4;
	[tilespmem:v8+s13+$0x0] =	vst.idx.msk $0xffff, v6  }
0x127: {  	s0 =	sadd.s32 $0x4, s28;
	v6 =	vadd.s32 s10, v0;
	v8 =	vld [tilespmem:s25+$0x80];
	v5 =	vmul.f32 $8.000000000e+00, v5;
	[tilespmem:v10+s13+$0x0] =	vst.idx.msk $0xffff, v7  }
0x128: {  	s9 =	sadd.s32 $0x5, s28;
	v10 =	vadd.s32 s0, v0;
	v7 =	vmul.f32 $8.000000000e+00, v16;
	v16 =	vld [tilespmem:s25+$0x100];
	[tilespmem:v17+s13+$0x0] =	vst.idx.msk $0xffff, v4  }
0x129: {  	s11 =	sadd.s32 $0x6, s28;
	v17 =	vadd.s32 s9, v0;
	v4 =	vld [tilespmem:s25+$0xFFFFFE00];
	v13 =	vmul.f32 $8.000000000e+00, v13;
	[tilespmem:v14+s13+$0x0] =	vst.idx.msk $0xffff, v5  }
0x12a: {  	[tilespmem:v12+s13+$0x0] =	vst.idx.msk $0xffff, v7;
	v5 =	vmul.f32 $8.000000000e+00, v15;
	v7 =	vadd.s32 s11, v0;
	v12 =	vld [tilespmem:s25+$0x190]  }
0x12b: {  	v14 =	vadd.s32 s28, v0;
	v15 =	vld [tilespmem:s25+$0xFFFFFE90];
	[tilespmem:v9+s13+$0x0] =	vst.idx.msk $0xffff, v13;
	v9 =	vmul.f32 $8.000000000e+00, v11  }
0x12c: {  	v11 =	vld [tilespmem:s25+$0xFFFFFF10];
	[tilespmem:v6+s13+$0x0] =	vst.idx.msk $0xffff, v5;
	v5 =	vmul.f32 $8.000000000e+00, v8;
	v6 =	vadd.s32 s30, v1  }
0x12d: {  	v8 =	vadd.s32 s31, v1;
	v13 =	vld [tilespmem:s25+$0xFFFFFF90];
	[tilespmem:v10+s13+$0x0] =	vst.idx.msk $0xffff, v9;
	v9 =	vmul.f32 $8.000000000e+00, v16  }
0x12e: {  	v10 =	vadd.s32 s1, v1;
	v4 =	vmul.f32 $8.000000000e+00, v4;
	v16 =	vld [tilespmem:s25+$0x10];
	[tilespmem:v17+s13+$0x0] =	vst.idx.msk $0xffff, v5  }
0x12f: {  	v5 =	vadd.s32 s10, v1;
	v17 =	vld [tilespmem:s25+$0x90];
	[tilespmem:v7+s13+$0x0] =	vst.idx.msk $0xffff, v9;
	v7 =	vmul.f32 $8.000000000e+00, v12  }
0x130: {  	v9 =	vadd.s32 s0, v1;
	[tilespmem:v14+s13+$0x0] =	vst.idx.msk $0xffff, v4;
	v4 =	vmul.f32 $8.000000000e+00, v15;
	v12 =	vld [tilespmem:s25+$0x110]  }
0x131: {  	v15 =	vadd.s32 s9, v1;
	v14 =	vld [tilespmem:s25+$0xFFFFFE10];
	v11 =	vmul.f32 $8.000000000e+00, v11;
	[tilespmem:v6+s13+$0x0] =	vst.idx.msk $0xffff, v7  }
0x132: {  	v6 =	vadd.s32 s11, v1;
	[tilespmem:v8+s13+$0x0] =	vst.idx.msk $0xffff, v4;
	v4 =	vmul.f32 $8.000000000e+00, v13;
	v7 =	vld [tilespmem:s25+$0x1A0]  }
0x133: {  	v8 =	vadd.s32 s28, v1;
	v13 =	vld [tilespmem:s25+$0xFFFFFEA0];
	[tilespmem:v10+s13+$0x0] =	vst.idx.msk $0xffff, v11;
	v10 =	vmul.f32 $8.000000000e+00, v16  }
0x134: {  	v11 =	vld [tilespmem:s25+$0xFFFFFF20];
	[tilespmem:v5+s13+$0x0] =	vst.idx.msk $0xffff, v4;
	v4 =	vmul.f32 $8.000000000e+00, v17;
	v5 =	vadd.s32 s30, v2  }
0x135: {  	v16 =	vadd.s32 s31, v2;
	v17 =	vld [tilespmem:s25+$0xFFFFFFA0];
	[tilespmem:v9+s13+$0x0] =	vst.idx.msk $0xffff, v10;
	v9 =	vmul.f32 $8.000000000e+00, v12  }
0x136: {  	v12 =	vadd.s32 s1, v2;
	v10 =	vmul.f32 $8.000000000e+00, v14;
	v14 =	vld [tilespmem:s25+$0x20];
	[tilespmem:v15+s13+$0x0] =	vst.idx.msk $0xffff, v4  }
0x137: {  	v4 =	vadd.s32 s10, v2;
	v15 =	vld [tilespmem:s25+$0xA0];
	[tilespmem:v6+s13+$0x0] =	vst.idx.msk $0xffff, v9;
	v6 =	vmul.f32 $8.000000000e+00, v7  }
0x138: {  	[tilespmem:v8+s13+$0x0] =	vst.idx.msk $0xffff, v10;
	v7 =	vmul.f32 $8.000000000e+00, v13;
	v8 =	vadd.s32 s0, v2;
	v9 =	vld [tilespmem:s25+$0x120]  }
0x139: {  	v18 =	vadd.s32 s9, v2;
	v10 =	vld [tilespmem:s25+$0xFFFFFE20];
	v11 =	vmul.f32 $8.000000000e+00, v11;
	[tilespmem:v5+s13+$0x0] =	vst.idx.msk $0xffff, v6  }
0x13a: {  	[tilespmem:v16+s13+$0x0] =	vst.idx.msk $0xffff, v7;
	v5 =	vmul.f32 $8.000000000e+00, v17;
	v7 =	vadd.s32 s11, v2;
	v16 =	vld [tilespmem:s25+$0x1B0]  }
0x13b: {  	v17 =	vadd.s32 s28, v2;
	v19 =	vld [tilespmem:s25+$0xFFFFFEB0];
	[tilespmem:v12+s13+$0x0] =	vst.idx.msk $0xffff, v11;
	v6 =	vmul.f32 $8.000000000e+00, v14  }
0x13c: {  	v14 =	vld [tilespmem:s25+$0xFFFFFF30];
	[tilespmem:v4+s13+$0x0] =	vst.idx.msk $0xffff, v5;
	v4 =	vmul.f32 $8.000000000e+00, v15;
	v5 =	vadd.s32 s30, v3  }
0x13d: {  	v15 =	vadd.s32 s31, v3;
	v20 =	vld [tilespmem:s25+$0xFFFFFFB0];
	[tilespmem:v8+s13+$0x0] =	vst.idx.msk $0xffff, v6;
	v8 =	vmul.f32 $8.000000000e+00, v9  }
.Ltmp6:
0x13e: {  	v13 =	vadd.s32 s1, v3;
	v9 =	vmul.f32 $8.000000000e+00, v10;
	v11 =	vld [tilespmem:s25+$0x30];
	[tilespmem:v18+s13+$0x0] =	vst.idx.msk $0xffff, v4;
	(pc) =	sbr.rel @p1 .LBB2_11-.Ltmp6, $4  }
0x13f: {  	v12 =	vadd.s32 s10, v3;
	v6 =	vld [tilespmem:s25+$0xB0];
	[tilespmem:v7+s13+$0x0] =	vst.idx.msk $0xffff, v8;
	v10 =	vmul.f32 $8.000000000e+00, v16  }
0x140: {  	[tilespmem:v17+s13+$0x0] =	vst.idx.msk $0xffff, v9;
	v16 =	vmul.f32 $8.000000000e+00, v19;
	v9 =	vadd.s32 s0, v3;
	v7 =	vld [tilespmem:s25+$0x130]  }
0x141: {  	v8 =	vadd.s32 s9, v3;
	v4 =	vld [tilespmem:s25+$0xFFFFFE30];
	v14 =	vmul.f32 $8.000000000e+00, v14;
	[tilespmem:v5+s13+$0x0] =	vst.idx.msk $0xffff, v10;
	s25 =	sadd.s32 $0x400, s25  }
0x142: {  	s29 =	sadd.s32 $0x8, s29;
	v10 =	vadd.s32 s11, v3;
	v5 =	vld [tilespmem:s25+$0x180];
	[tilespmem:v15+s13+$0x0] =	vst.idx.msk $0xffff, v16;
	v15 =	vmul.f32 $8.000000000e+00, v20  }
0x143: {  	_ =	sdelay $0x3  }
0x144: {  	v16 =	vld [tilespmem:s25+$0xFFFFFE80];
	s0 =	sadd.s32 $0x7, s26;
	v17 =	vadd.s32 s28, v3;
	[tilespmem:v13+s13+$0x0] =	vst.idx.msk $0xffff, v14;
	v11 =	vmul.f32 $8.000000000e+00, v11  }
0x145: {  	s1 =	sadd.s32 $0x1, s26;
	v40 =	vld [tilespmem:s25+$0xFFFFFF00];
	v41 =	vadd.s32 s0, v0;
	[tilespmem:v12+s13+$0x0] =	vst.idx.msk $0xffff, v15;
	v6 =	vmul.f32 $8.000000000e+00, v6  }
0x146: {  	s9 =	sadd.s32 $0x2, s26;
	v43 =	vld [tilespmem:s25+$0xFFFFFF80];
	v42 =	vadd.s32 s1, v0;
	[tilespmem:v9+s13+$0x0] =	vst.idx.msk $0xffff, v11;
	v7 =	vmul.f32 $8.000000000e+00, v7  }
0x147: {  	s11 =	sadd.s32 $0x3, s26;
	v9 =	vadd.s32 s9, v0;
	v11 =	vld [tilespmem:s25+$0x0];
	v4 =	vmul.f32 $8.000000000e+00, v4;
	[tilespmem:v8+s13+$0x0] =	vst.idx.msk $0xffff, v6  }
0x148: {  	s10 =	sadd.s32 $0x4, s26;
	v6 =	vadd.s32 s11, v0;
	v8 =	vld [tilespmem:s25+$0x80];
	v5 =	vmul.f32 $8.000000000e+00, v5;
	[tilespmem:v10+s13+$0x0] =	vst.idx.msk $0xffff, v7  }
0x149: {  	s28 =	sadd.s32 $0x5, s26;
	v44 =	vld [tilespmem:s25+$0x100];
	v10 =	vadd.s32 s10, v0;
	v7 =	vmul.f32 $8.000000000e+00, v16;
	[tilespmem:v17+s13+$0x0] =	vst.idx.msk $0xffff, v4  }
0x14a: {  	s29 =	sadd.s32 $0x6, s26;
	v45 =	vadd.s32 s28, v0;
	v4 =	vld [tilespmem:s25+$0xFFFFFE00];
	v13 =	vmul.f32 $8.000000000e+00, v40;
	[tilespmem:v41+s13+$0x0] =	vst.idx.msk $0xffff, v5  }
0x14b: {  	v5 =	vmul.f32 $8.000000000e+00, v43;
	[tilespmem:v42+s13+$0x0] =	vst.idx.msk $0xffff, v7;
	v7 =	vadd.s32 s29, v0;
	v46 =	vld [tilespmem:s25+$0x190]  }
0x14c: {  	v47 =	vadd.s32 s26, v0;
	[tilespmem:v9+s13+$0x0] =	vst.idx.msk $0xffff, v13;
	v9 =	vmul.f32 $8.000000000e+00, v11;
	v48 =	vld [tilespmem:s25+$0xFFFFFE90]  }
0x14d: {  	v11 =	vld [tilespmem:s25+$0xFFFFFF10];
	[tilespmem:v6+s13+$0x0] =	vst.idx.msk $0xffff, v5;
	v5 =	vmul.f32 $8.000000000e+00, v8;
	v6 =	vadd.s32 s0, v1  }
0x14e: {  	v8 =	vadd.s32 s1, v1;
	v49 =	vld [tilespmem:s25+$0xFFFFFF90];
	[tilespmem:v10+s13+$0x0] =	vst.idx.msk $0xffff, v9;
	v9 =	vmul.f32 $8.000000000e+00, v44  }
0x14f: {  	v10 =	vadd.s32 s9, v1;
	v4 =	vmul.f32 $8.000000000e+00, v4;
	v50 =	vld [tilespmem:s25+$0x10];
	[tilespmem:v45+s13+$0x0] =	vst.idx.msk $0xffff, v5  }
0x150: {  	v5 =	vadd.s32 s11, v1;
	v17 =	vld [tilespmem:s25+$0x90];
	[tilespmem:v7+s13+$0x0] =	vst.idx.msk $0xffff, v9;
	v7 =	vmul.f32 $8.000000000e+00, v46  }
0x151: {  	[tilespmem:v47+s13+$0x0] =	vst.idx.msk $0xffff, v4;
	v9 =	vadd.s32 s10, v1;
	v4 =	vmul.f32 $8.000000000e+00, v48;
	v51 =	vld [tilespmem:s25+$0x110]  }
0x152: {  	v52 =	vadd.s32 s28, v1;
	v14 =	vld [tilespmem:s25+$0xFFFFFE10];
	v11 =	vmul.f32 $8.000000000e+00, v11;
	[tilespmem:v6+s13+$0x0] =	vst.idx.msk $0xffff, v7  }
0x153: {  	v6 =	vadd.s32 s29, v1;
	[tilespmem:v8+s13+$0x0] =	vst.idx.msk $0xffff, v4;
	v4 =	vmul.f32 $8.000000000e+00, v49;
	v7 =	vld [tilespmem:s25+$0x1A0]  }
0x154: {  	v8 =	vadd.s32 s26, v1;
	[tilespmem:v10+s13+$0x0] =	vst.idx.msk $0xffff, v11;
	v10 =	vmul.f32 $8.000000000e+00, v50;
	v53 =	vld [tilespmem:s25+$0xFFFFFEA0]  }
0x155: {  	v11 =	vld [tilespmem:s25+$0xFFFFFF20];
	[tilespmem:v5+s13+$0x0] =	vst.idx.msk $0xffff, v4;
	v4 =	vmul.f32 $8.000000000e+00, v17;
	v5 =	vadd.s32 s0, v2  }
0x156: {  	v54 =	vadd.s32 s1, v2;
	[tilespmem:v9+s13+$0x0] =	vst.idx.msk $0xffff, v10;
	v55 =	vld [tilespmem:s25+$0xFFFFFFA0];
	v9 =	vmul.f32 $8.000000000e+00, v51  }
0x157: {  	v56 =	vadd.s32 s9, v2;
	v10 =	vmul.f32 $8.000000000e+00, v14;
	v57 =	vld [tilespmem:s25+$0x20];
	[tilespmem:v52+s13+$0x0] =	vst.idx.msk $0xffff, v4  }
0x158: {  	v4 =	vadd.s32 s11, v2;
	v15 =	vld [tilespmem:s25+$0xA0];
	[tilespmem:v6+s13+$0x0] =	vst.idx.msk $0xffff, v9;
	v6 =	vmul.f32 $8.000000000e+00, v7  }
0x159: {  	[tilespmem:v8+s13+$0x0] =	vst.idx.msk $0xffff, v10;
	v8 =	vadd.s32 s10, v2;
	v7 =	vmul.f32 $8.000000000e+00, v53;
	v9 =	vld [tilespmem:s25+$0x120]  }
0x15a: {  	v58 =	vadd.s32 s28, v2;
	v10 =	vld [tilespmem:s25+$0xFFFFFE20];
	v11 =	vmul.f32 $8.000000000e+00, v11;
	[tilespmem:v5+s13+$0x0] =	vst.idx.msk $0xffff, v6  }
0x15b: {  	v6 =	vadd.s32 s29, v2;
	[tilespmem:v54+s13+$0x0] =	vst.idx.msk $0xffff, v7;
	v5 =	vmul.f32 $8.000000000e+00, v55;
	v7 =	vld [tilespmem:s25+$0x1B0]  }
0x15c: {  	v59 =	vadd.s32 s26, v2;
	[tilespmem:v56+s13+$0x0] =	vst.idx.msk $0xffff, v11;
	v11 =	vmul.f32 $8.000000000e+00, v57;
	v60 =	vld [tilespmem:s25+$0xFFFFFEB0]  }
0x15d: {  	v12 =	vld [tilespmem:s25+$0xFFFFFF30];
	[tilespmem:v4+s13+$0x0] =	vst.idx.msk $0xffff, v5;
	v4 =	vmul.f32 $8.000000000e+00, v15;
	v5 =	vadd.s32 s0, v3  }
0x15e: {  	v61 =	vadd.s32 s1, v3;
	[tilespmem:v8+s13+$0x0] =	vst.idx.msk $0xffff, v11;
	v62 =	vld [tilespmem:s25+$0xFFFFFFB0];
	v8 =	vmul.f32 $8.000000000e+00, v9  }
0x15f: {  	v9 =	vmul.f32 $8.000000000e+00, v10;
	v10 =	vadd.s32 s9, v3;
	v11 =	vld [tilespmem:s25+$0x30];
	[tilespmem:v58+s13+$0x0] =	vst.idx.msk $0xffff, v4  }
0x160: {  	v4 =	vadd.s32 s11, v3;
	v13 =	vld [tilespmem:s25+$0xB0];
	[tilespmem:v6+s13+$0x0] =	vst.idx.msk $0xffff, v8;
	v6 =	vmul.f32 $8.000000000e+00, v7  }
0x161: {  	[tilespmem:v59+s13+$0x0] =	vst.idx.msk $0xffff, v9;
	v8 =	vadd.s32 s10, v3;
	v7 =	vmul.f32 $8.000000000e+00, v60;
	v9 =	vld [tilespmem:s25+$0x130]  }
0x162: {  	v63 =	vadd.s32 s28, v3;
	v16 =	vld [tilespmem:s25+$0xFFFFFE30];
	v12 =	vmul.f32 $8.000000000e+00, v12;
	[tilespmem:v5+s13+$0x0] =	vst.idx.msk $0xffff, v6  }
0x163: {  	v6 =	vadd.s32 s29, v3;
	[tilespmem:v61+s13+$0x0] =	vst.idx.msk $0xffff, v7;
	v5 =	vmul.f32 $8.000000000e+00, v62  }
0x164: {  	v7 =	vadd.s32 s26, v3;
	[tilespmem:v10+s13+$0x0] =	vst.idx.msk $0xffff, v12;
	v10 =	vmul.f32 $8.000000000e+00, v11  }
0x165: {  	[tilespmem:v4+s13+$0x0] =	vst.idx.msk $0xffff, v5;
	v4 =	vmul.f32 $8.000000000e+00, v13  }
0x166: {  	[tilespmem:v8+s13+$0x0] =	vst.idx.msk $0xffff, v10;
	v5 =	vmul.f32 $8.000000000e+00, v9  }
0x167: {  	v8 =	vmul.f32 $8.000000000e+00, v16;
	[tilespmem:v63+s13+$0x0] =	vst.idx.msk $0xffff, v4  }
0x168: {  	[tilespmem:v6+s13+$0x0] =	vst.idx.msk $0xffff, v5  }
0x169: {  	s29 =	simm.s32 $0xE512;
	[tilespmem:v7+s13+$0x0] =	vst.idx.msk $0xffff, v8  }
0x16a: {  	v4 =	vld [tilespmem:s29+$0x89]  }
0x16b: {  	v5 =	vld [tilespmem:s29+$0xFFFFFF77]  }
0x16c: {  	v6 =	vld [tilespmem:s29+$0x0];
	_ =	sdelay $0x1  }
0x16d: {  	s25 =	simm.s32 $0x12780  }
0x16e: {  	v7 =	vld [tilespmem:s29+$0xFFFFFEEE];
	[tilespmem:s25+$0x80] =	vst v4  }
0x16f: {  	[tilespmem:s25+$0xFFFFFF80] =	vst v5;
	v4 =	vld [tilespmem:s29+$0x99]  }
0x170: {  	[tilespmem:s25+$0x0] =	vst v6;
	v5 =	vld [tilespmem:s29+$0xFFFFFF87]  }
0x171: {  	v6 =	vld [tilespmem:s29+$0x10];
	_ =	sdelay $0x1  }
0x172: {  	[tilespmem:s25+$0xFFFFFF00] =	vst v7  }
0x173: {  	v7 =	vld [tilespmem:s29+$0xFFFFFEFE];
	[tilespmem:s25+$0x90] =	vst v4  }
0x174: {  	[tilespmem:s25+$0xFFFFFF90] =	vst v5;
	v4 =	vld [tilespmem:s29+$0xA9]  }
0x175: {  	[tilespmem:s25+$0x10] =	vst v6;
	v5 =	vld [tilespmem:s29+$0xFFFFFF97]  }
0x176: {  	v6 =	vld [tilespmem:s29+$0x20];
	_ =	sdelay $0x1  }
0x177: {  	[tilespmem:s25+$0xFFFFFF10] =	vst v7  }
0x178: {  	v7 =	vld [tilespmem:s29+$0xFFFFFF0E];
	[tilespmem:s25+$0xA0] =	vst v4  }
0x179: {  	[tilespmem:s25+$0xFFFFFFA0] =	vst v5;
	v4 =	vld [tilespmem:s29+$0xB9]  }
0x17a: {  	[tilespmem:s25+$0x20] =	vst v6;
	v5 =	vld [tilespmem:s29+$0xFFFFFFA7]  }
0x17b: {  	v6 =	vld [tilespmem:s29+$0x30];
	_ =	sdelay $0x1  }
0x17c: {  	[tilespmem:s25+$0xFFFFFF20] =	vst v7  }
0x17d: {  	v7 =	vld [tilespmem:s29+$0xFFFFFF1E];
	[tilespmem:s25+$0xB0] =	vst v4  }
0x17e: {  	[tilespmem:s25+$0xFFFFFFB0] =	vst v5;
	v5 =	vld [tilespmem:s29+$0xC9]  }
0x17f: {  	[tilespmem:s25+$0x30] =	vst v6;
	v8 =	vld [tilespmem:s29+$0xFFFFFFB7]  }
0x180: {  	p2 =	por $0x1, $0x1;
	v6 =	vld [tilespmem:s29+$0x40]  }
.Ltmp7:
0x181: {  	_ = 	snop;
	(pc) =	sbr.rel @!p2 .LBB2_13-.Ltmp7, $4  }
0x182: {  	[tilespmem:s25+$0xFFFFFF30] =	vst v7  }
0x183: {  	v4 =	vld [tilespmem:s29+$0xFFFFFF2E];
	[tilespmem:s25+$0xC0] =	vst v5  }
0x184: {  	[tilespmem:s25+$0xFFFFFFC0] =	vst v8;
	v8 =	vld [tilespmem:s29+$0xD9]  }
0x185: {  	p1 =	por $0x0, $0x0;
	s28 =	simm.s32 $0xE736;
	[tilespmem:s25+$0x40] =	vst v6;
	v7 =	vld [tilespmem:s29+$0xFFFFFFC7]  }
0x186: {  	v5 =	vld [tilespmem:s28+$0x89]  }
0x187: {  	v6 =	vld [tilespmem:s28+$0xFFFFFF77]  }
0x188: {  	[tilespmem:s25+$0xFFFFFF40] =	vst v4;
	v4 =	vld [tilespmem:s28+$0x0]  }
0x189: {  	v9 =	vld [tilespmem:s28+$0xFFFFFEEE];
	[tilespmem:s25+$0xD0] =	vst v8  }
0x18a: {  	s26 =	simm.s32 $0x12980;
	[tilespmem:s25+$0xFFFFFFD0] =	vst v7;
	v7 =	vld [tilespmem:s29+$0xE9]  }
0x18b: {  	[tilespmem:s26+$0x80] =	vst v5;
	v5 =	vld [tilespmem:s29+$0xFFFFFF3E]  }
0x18c: {  	[tilespmem:s26+$0xFFFFFF80] =	vst v6;
	v6 =	vld [tilespmem:s28+$0x99]  }
0x18d: {  	v8 =	vld [tilespmem:s28+$0xFFFFFF87];
	[tilespmem:s26+$0x0] =	vst v4  }
0x18e: {  	[tilespmem:s26+$0xFFFFFF00] =	vst v9;
	v4 =	vld [tilespmem:s28+$0x10]  }
0x18f: {  	v9 =	vld [tilespmem:s28+$0xFFFFFEFE];
	[tilespmem:s25+$0xE0] =	vst v7  }
0x190: {  	[tilespmem:s25+$0xFFFFFF50] =	vst v5;
	v5 =	vld [tilespmem:s29+$0xF9]  }
0x191: {  	[tilespmem:s26+$0x90] =	vst v6;
	v6 =	vld [tilespmem:s29+$0x50]  }
0x192: {  	[tilespmem:s26+$0xFFFFFF90] =	vst v8;
	v7 =	vld [tilespmem:s28+$0xA9]  }
0x193: {  	v8 =	vld [tilespmem:s28+$0xFFFFFF97];
	[tilespmem:s26+$0x10] =	vst v4  }
0x194: {  	[tilespmem:s26+$0xFFFFFF10] =	vst v9;
	v4 =	vld [tilespmem:s28+$0x20]  }
0x195: {  	v9 =	vld [tilespmem:s28+$0xFFFFFF0E];
	[tilespmem:s25+$0xF0] =	vst v5  }
0x196: {  	v5 =	vld [tilespmem:s29+$0xFFFFFF4E];
	[tilespmem:s25+$0x50] =	vst v6  }
0x197: {  	v6 =	vld [tilespmem:s29+$0xFFFFFFD7];
	[tilespmem:s26+$0xA0] =	vst v7  }
0x198: {  	[tilespmem:s26+$0xFFFFFFA0] =	vst v8;
	v7 =	vld [tilespmem:s28+$0xB9]  }
0x199: {  	v8 =	vld [tilespmem:s28+$0xFFFFFFA7];
	[tilespmem:s26+$0x20] =	vst v4  }
0x19a: {  	[tilespmem:s26+$0xFFFFFF20] =	vst v9;
	v4 =	vld [tilespmem:s28+$0x30]  }
0x19b: {  	v9 =	vld [tilespmem:s28+$0xFFFFFF1E];
	[tilespmem:s25+$0xFFFFFF60] =	vst v5  }
0x19c: {  	v5 =	vld [tilespmem:s29+$0x60];
	[tilespmem:s25+$0xFFFFFFE0] =	vst v6  }
0x19d: {  	v6 =	vld [tilespmem:s29+$0xFFFFFF5E];
	[tilespmem:s26+$0xB0] =	vst v7  }
0x19e: {  	[tilespmem:s26+$0xFFFFFFB0] =	vst v8;
	v7 =	vld [tilespmem:s28+$0xC9]  }
0x19f: {  	v8 =	vld [tilespmem:s28+$0xFFFFFFB7];
	[tilespmem:s26+$0x30] =	vst v4  }
0x1a0: {  	p2 =	por $0x1, $0x1;
	[tilespmem:s26+$0xFFFFFF30] =	vst v9;
	v9 =	vld [tilespmem:s28+$0x40]  }
.Ltmp8:
0x1a1: {  	v4 =	vld [tilespmem:s28+$0xFFFFFF2E];
	[tilespmem:s25+$0x60] =	vst v5;
	(pc) =	sbr.rel @!p2 .LBB2_15-.Ltmp8, $4  }
0x1a2: {  	v5 =	vld [tilespmem:s29+$0xFFFFFFE7];
	[tilespmem:s25+$0xFFFFFF70] =	vst v6  }
0x1a3: {  	v6 =	vld [tilespmem:s29+$0x70];
	[tilespmem:s26+$0xC0] =	vst v7  }
0x1a4: {  	[tilespmem:s26+$0xFFFFFFC0] =	vst v8;
	v8 =	vld [tilespmem:s28+$0xD9]  }
0x1a5: {  	s0 =	simm.s32 $0x4;
	s1 =	simm.s32 $0xE95A;
	p1 =	por $0x1, $0x1;
	v7 =	vld [tilespmem:s28+$0xFFFFFFC7];
	[tilespmem:s26+$0x40] =	vst v9  }
.LBB2_16:
0x1a6: {  	v9 =	vld [tilespmem:s1+$0x89];
	s0 =	sadd.s32 $0x4, s0;
	[tilespmem:s26+$0xFFFFFF40] =	vst v4  }
0x1a7: {  	v4 =	vld [tilespmem:s1+$0xFFFFFF77];
	p2 =	slt.u32 s0, $0x3C;
	[tilespmem:s25+$0xFFFFFFF0] =	vst v5  }
0x1a8: {  	v5 =	vld [tilespmem:s1+$0x0];
	[tilespmem:s25+$0x70] =	vst v6;
	s25 =	smov.u32 s26  }
0x1a9: {  	v6 =	vld [tilespmem:s1+$0xFFFFFEEE];
	[tilespmem:s26+$0xD0] =	vst v8  }
0x1aa: {  	s26 =	sadd.s32 $0x200, s26;
	[tilespmem:s25+$0xFFFFFFD0] =	vst v7;
	v7 =	vld [tilespmem:s28+$0xE9]  }
0x1ab: {  	[tilespmem:s26+$0x80] =	vst v9;
	v8 =	vld [tilespmem:s28+$0xFFFFFF3E]  }
0x1ac: {  	[tilespmem:s26+$0xFFFFFF80] =	vst v4;
	v4 =	vld [tilespmem:s1+$0x99]  }
0x1ad: {  	v9 =	vld [tilespmem:s1+$0xFFFFFF87];
	[tilespmem:s26+$0x0] =	vst v5  }
0x1ae: {  	[tilespmem:s26+$0xFFFFFF00] =	vst v6;
	v5 =	vld [tilespmem:s1+$0x10]  }
0x1af: {  	v6 =	vld [tilespmem:s1+$0xFFFFFEFE];
	[tilespmem:s25+$0xE0] =	vst v7  }
0x1b0: {  	[tilespmem:s25+$0xFFFFFF50] =	vst v8;
	v7 =	vld [tilespmem:s28+$0xF9]  }
0x1b1: {  	[tilespmem:s26+$0x90] =	vst v4;
	v4 =	vld [tilespmem:s28+$0x50]  }
0x1b2: {  	[tilespmem:s26+$0xFFFFFF90] =	vst v9;
	v8 =	vld [tilespmem:s1+$0xA9]  }
0x1b3: {  	v9 =	vld [tilespmem:s1+$0xFFFFFF97];
	[tilespmem:s26+$0x10] =	vst v5  }
0x1b4: {  	[tilespmem:s26+$0xFFFFFF10] =	vst v6;
	v5 =	vld [tilespmem:s1+$0x20]  }
0x1b5: {  	v6 =	vld [tilespmem:s1+$0xFFFFFF0E];
	[tilespmem:s25+$0xF0] =	vst v7  }
0x1b6: {  	v7 =	vld [tilespmem:s28+$0xFFFFFF4E];
	[tilespmem:s25+$0x50] =	vst v4  }
0x1b7: {  	[tilespmem:s26+$0xA0] =	vst v8;
	v4 =	vld [tilespmem:s28+$0xFFFFFFD7]  }
0x1b8: {  	[tilespmem:s26+$0xFFFFFFA0] =	vst v9;
	v8 =	vld [tilespmem:s1+$0xB9]  }
0x1b9: {  	v9 =	vld [tilespmem:s1+$0xFFFFFFA7];
	[tilespmem:s26+$0x20] =	vst v5  }
0x1ba: {  	[tilespmem:s26+$0xFFFFFF20] =	vst v6;
	v5 =	vld [tilespmem:s1+$0x30]  }
0x1bb: {  	v6 =	vld [tilespmem:s1+$0xFFFFFF1E];
	[tilespmem:s25+$0xFFFFFF60] =	vst v7  }
0x1bc: {  	[tilespmem:s25+$0xFFFFFFE0] =	vst v4;
	v7 =	vld [tilespmem:s28+$0x60]  }
0x1bd: {  	[tilespmem:s26+$0xB0] =	vst v8;
	v8 =	vld [tilespmem:s28+$0xFFFFFF5E]  }
0x1be: {  	[tilespmem:s26+$0xFFFFFFB0] =	vst v9;
	v9 =	vld [tilespmem:s1+$0xC9]  }
0x1bf: {  	v10 =	vld [tilespmem:s1+$0xFFFFFFB7];
	[tilespmem:s26+$0x30] =	vst v5  }
0x1c0: {  	[tilespmem:s26+$0xFFFFFF30] =	vst v6;
	v11 =	vld [tilespmem:s1+$0x40]  }
.Ltmp9:
0x1c1: {  	v4 =	vld [tilespmem:s1+$0xFFFFFF2E];
	[tilespmem:s25+$0x60] =	vst v7;
	(pc) =	sbr.rel @p2 .LBB2_16-.Ltmp9, $4  }
0x1c2: {  	[tilespmem:s25+$0xFFFFFF70] =	vst v8;
	v5 =	vld [tilespmem:s28+$0xFFFFFFE7]  }
0x1c3: {  	[tilespmem:s26+$0xC0] =	vst v9;
	v6 =	vld [tilespmem:s28+$0x70];
	s28 =	smov.u32 s1  }
0x1c4: {  	[tilespmem:s26+$0xFFFFFFC0] =	vst v10;
	v8 =	vld [tilespmem:s1+$0xD9]  }
0x1c5: {  	s1 =	sadd.s32 $0x224, s1;
	v7 =	vld [tilespmem:s28+$0xFFFFFFC7];
	[tilespmem:s26+$0x40] =	vst v11  }
0x1c6: {  	s29 =	smov.u32 s28  }
.LBB2_18:
0x1c7: {  	[tilespmem:s26+$0xFFFFFF40] =	vst v4;
	v9 =	vld [tilespmem:s29+$0x50]  }
0x1c8: {  	v4 =	vld [tilespmem:s29+$0xFFFFFF3E];
	_ =	sdelay $0x1  }
0x1c9: {  	[tilespmem:s26+$0xD0] =	vst v8  }
0x1ca: {  	v8 =	vld [tilespmem:s29+$0xE9];
	[tilespmem:s26+$0xFFFFFFD0] =	vst v7  }
0x1cb: {  	v7 =	vld [tilespmem:s29+$0xFFFFFFD7];
	[tilespmem:s26+$0x50] =	vst v9  }
0x1cc: {  	[tilespmem:s26+$0xFFFFFF50] =	vst v4;
	v9 =	vld [tilespmem:s29+$0x60]  }
0x1cd: {  	v4 =	vld [tilespmem:s29+$0xFFFFFF4E];
	_ =	sdelay $0x1  }
0x1ce: {  	[tilespmem:s26+$0xE0] =	vst v8  }
0x1cf: {  	[tilespmem:s26+$0xFFFFFFE0] =	vst v7  }
0x1d0: {  	v63 =	vld [tilespmem:s29+$0xFFFFFFE7];
	[tilespmem:s26+$0x60] =	vst v9  }
0x1d1: {  	[tilespmem:s26+$0xFFFFFF60] =	vst v4;
	v4 =	vld [tilespmem:s29+$0xF9]  }
0x1d2: {  	[tilespmem:s25+$0xFFFFFFF0] =	vst @p1 v5;
	v5 =	vld [tilespmem:s29+$0x70]  }
0x1d3: {  	v62 =	vld [tilespmem:s29+$0xFFFFFF5E]  }
0x1d4: {  	[tilespmem:s25+$0x70] =	vst @p1 v6  }
0x1d5: {  	[tilespmem:s26+$0xFFFFFFF0] =	vst v63  }
0x1d6: {  	[tilespmem:s26+$0xF0] =	vst v4  }
0x1d7: {  	s0 =	sadd.s32 @!p0 $0x180, s24;
	[tilespmem:s26+$0x70] =	vst v5  }
0x1d8: {  	s1 =	simm.s32 @!p0 $0x80;
	s9 =	simm.s32 @!p0 $0xA400;
	s22 =	sadd.s32 $0x1, s22;
	[tilespmem:s26+$0xFFFFFF70] =	vst v62  }
0x1d9: {  	[tilespmem:s9], [sflag:$0x2] =	stream.indirect.gather @!p0 [hbm4b:s4+s1], $0x80, s0, s1, $0xb8;
	[tilespmem:$0x14680] =	vst v63  }
0x1da: {  	s30 =	sadd.s32 s5, s23;
	p0 =	sne.s32 s22, $0x64  }
.Ltmp10:
0x1db: {  	s31 =	sshll.u32 s30, $0x7;
	(pc) =	sbr.rel @p0 .LBB2_2-.Ltmp10, $4  }
.Ltmp11:
0x1dc: {  	s0 =	sshll.u32 s30, $0xA;
	s1 =	sand.u32 $0xF80, s31;
	(pc) =	sbr.rel @!p0 .LBB2_19-.Ltmp11, $4  }
0x1dd: {  	s0 =	sand.u32 $0xFFF8000, s0;
	s1 =	sadd.s32 s2, s1  }
0x1de: {  	s0 =	sadd.s32 s0, s1  }
0x1df: {  	[hbm4b:s0+s14] =	stream.strided.scatter [tilespmem:s18], [sflag:$0x4], $0x2000, s15, s14, $0x38;
	[tilespmem:$0x14680] =	vst v63  }
0x1e0: {  	_ = 	snop  }
.LBB2_5:
.Ltmp12:
0x1e1: {  	(pc) =	sbr.rel .LBB2_10-.Ltmp12, $2  }
0x1e2: {  	_ =	sdelay $0x2  }
0x1e3: {  	s25 =	simm.s32 $0x10780  }
.LBB2_13:
.Ltmp13:
0x1e4: {  	(pc) =	sbr.rel .LBB2_18-.Ltmp13, $2  }
0x1e5: {  	_ =	sdelay $0x2  }
0x1e6: {  	s26 =	simm.s32 $0x12780  }
.LBB2_7:
.Ltmp14:
0x1e7: {  	(pc) =	sbr.rel .LBB2_10-.Ltmp14, $2  }
0x1e8: {  	_ =	sdelay $0x2  }
0x1e9: {  	s28 =	simm.s32 $0xE736  }
.LBB2_15:
.Ltmp15:
0x1ea: {  	(pc) =	sbr.rel .LBB2_18-.Ltmp15, $2  }
0x1eb: {  	_ =	sdelay $0x2  }
0x1ec: {  	s29 =	simm.s32 $0xE736  }
.LBB2_20:
0x1ed: {  	_ =	sfence.sel $0x180000  }
0x1ee: {  	[bflag:$0x0] =	sbarrier.arrive $0xFFFF  }
0x1ef: {  	_ =	strace $0x90000047  }
0x1f0: {  	s0 =	stileid.u32;
	[bflag:$0x2] =	sbarrier.arrive $0xFFFF  }
0x1f1: {  	p0 =	sne.s32 s0, $0x0;
	s0 =	rddreg [dreg:$0x2]  }
0x1f2: {  	s0 =	sadd.s32 @!p0 $0x100000, s0  }
0x1f3: {  	[sflag:s0] =	ssyncadd.tile.s32 @!p0 $0x1;
	_ =	shalt  }
.Lfunc_end2:
_tile_overlayer_lowered:
.L_overlay_start_2:
0x1f4: {  	(tag) =	ssettag $0x2  }
0x1f5: {  	s0 =	rddreg [dreg:$0x0];
	s2 =	stileid.u32  }
0x1f6: {  	s1 =	rddreg [dreg:$0x1];
	p0 =	sne.s32 s2, $0x0  }
0x1f7: {  	s3 =	rddreg [dreg:$0x2];
	[bflag:$0x3] =	sbarrier.arrive $0xFFFF;
	s2 =	simm.s32 @!p0 $0x1C05  }
0x1f8: {  	[timem:s3], [sflag:s2] =	dma.local @!p0 [hbm:s0], s1  }
0x1f9: {  	s0 =	simm.s32 @!p0 $0x5  }
0x1fa: {  	_ =	swait.ge @!p0 [sflag:s0], s1  }
0x1fb: {  	s1 =	ssub.s32 @!p0 $0x0, s1;
	[sflag:s0] =	ssyncset.done @!p0 $0x0  }
0x1fc: {  	[sflag:s0] =	ssyncadd.s32 @!p0 s1  }
0x1fd: {  	[bflag:$0x3] =	sbarrier.arrive $0xFFFF  }
0x1fe: {  	_ =	shalt  }

</sc_bundles>
